<compile_context>
chip_gen: v7x
topology: tpu7x:2x2x1
jax: 0.10.2.dev20260603
libtpu: 0.0.44.dev20260713+nightly
codegen_flags: <defaults>
</compile_context>

<pallas_src>
import jax
import jax.numpy as jnp
from jax import lax
from jax.experimental import pallas as pl
from jax.experimental.pallas import tpu as pltpu
from jax.experimental.pallas import tpu_sc as plsc

N_ELEMENTS = 118
FRACTION_MSE_W = 5.0
ELEMENT_COUNT_W = 1.0
COMP_SIM_W = 2.0

B = 16384
S = 16
NC = 2
NS = 16
NW = NC * NS
ROWS_PER_W = B // NW
GROUPS = ROWS_PER_W // 16
CHUNK = ROWS_PER_W * S

EF_OFF = B * S
PK_OFF = 2 * B * S
CNT_OFF = 3 * B * S

V_EF = CHUNK
V_PK = 2 * CHUNK
V_CNT = 3 * CHUNK
V_LEN = 3 * CHUNK + ROWS_PER_W

_MAGIC = 0x5F3759DF


def _body(data_hbm, out_hbm, data_v, comp_p, comp_t, out_v, sem):
    wid = lax.axis_index("s") * NC + lax.axis_index("c")
    base = wid * CHUNK

    c1 = pltpu.async_copy(data_hbm.at[pl.ds(base, CHUNK)],
                          data_v.at[pl.ds(0, CHUNK)], sem)
    c2 = pltpu.async_copy(data_hbm.at[pl.ds(EF_OFF + base, CHUNK)],
                          data_v.at[pl.ds(V_EF, CHUNK)], sem)
    c3 = pltpu.async_copy(data_hbm.at[pl.ds(PK_OFF + base, CHUNK)],
                          data_v.at[pl.ds(V_PK, CHUNK)], sem)
    c4 = pltpu.async_copy(data_hbm.at[pl.ds(CNT_OFF + wid * ROWS_PER_W, ROWS_PER_W)],
                          data_v.at[pl.ds(V_CNT, ROWS_PER_W)], sem)
    c1.wait()
    c2.wait()
    c3.wait()
    c4.wait()

    zeros16 = jnp.zeros((16,), jnp.float32)
    for k in range(8):
        comp_p[pl.ds(k * 16, 16)] = zeros16
        comp_t[pl.ds(k * 16, 16)] = zeros16

    lane = lax.iota(jnp.int32, 16)

    def group(g, carry):
        acc_mse, acc_cnt, acc_cos, acc_comp = carry
        na2v = zeros16
        nb2v = zeros16
        numv = zeros16
        nvv = zeros16
        for j in range(16):
            off = g * 256 + j * 16
            p = data_v[pl.ds(off, 16)]
            t = data_v[pl.ds(V_EF + off, 16)]
            pk = plsc.bitcast(data_v[pl.ds(V_PK + off, 16)], jnp.int32)
            mi = pk >> 8
            m = mi.astype(jnp.float32)
            ii = pk & 255
            vidx = jnp.maximum(ii, 1) - 1
            pm = p * m
            tm = t * m
            d = p - t
            se = d * d * m
            nvi = plsc.all_reduce_population_count(mi != 0)
            nvf = nvi.astype(jnp.float32)
            acc_mse = acc_mse + se / jnp.maximum(nvf, 1.0)
            plsc.addupdate_scatter(comp_p, [vidx], pm)
            plsc.addupdate_scatter(comp_t, [vidx], tm)
            gp = plsc.load_gather(comp_p, [vidx])
            gt = plsc.load_gather(comp_t, [vidx])
            plsc.store_scatter(comp_p, [vidx], zeros16)
            plsc.store_scatter(comp_t, [vidx], zeros16)
            na2 = jnp.sum(pm * gp)
            nb2 = jnp.sum(tm * gt)
            nm = jnp.sum(pm * gt)
            sel = lane == j
            na2v = jnp.where(sel, na2, na2v)
            nb2v = jnp.where(sel, nb2, nb2v)
            numv = jnp.where(sel, nm, numv)
            nvv = jnp.where(sel, nvf, nvv)
        cnt16 = data_v[pl.ds(V_CNT + g * 16, 16)]
        dc = cnt16 - nvv
        acc_cnt = acc_cnt + dc * dc
        x = jnp.maximum(na2v, 1e-16) * jnp.maximum(nb2v, 1e-16)
        xi = lax.bitcast_convert_type(x, jnp.int32)
        y = lax.bitcast_convert_type(_MAGIC - (xi >> 1), jnp.float32)
        for _ in range(3):
            y = y * (1.5 - 0.5 * x * y * y)
        acc_cos = acc_cos + numv * y
        acc_comp = acc_comp + (na2v - 2.0 * numv + nb2v)
        return acc_mse, acc_cnt, acc_cos, acc_comp

    accs = lax.fori_loop(0, GROUPS, group, (zeros16, zeros16, zeros16, zeros16))
    s_mse = jnp.sum(accs[0])
    s_cnt = jnp.sum(accs[1])
    s_cos = jnp.sum(accs[2])
    s_comp = jnp.sum(accs[3])
    ov = jnp.zeros((16,), jnp.float32)
    ov = jnp.where(lane == 0, s_mse, ov)
    ov = jnp.where(lane == 1, s_cnt, ov)
    ov = jnp.where(lane == 2, s_cos, ov)
    ov = jnp.where(lane == 3, s_comp, ov)
    out_v[...] = ov
    pltpu.sync_copy(out_v, out_hbm.at[wid])


@jax.jit
def kernel(fraction_pred, element_fractions, element_mask, element_count_pred, element_indices):
    idx32 = element_indices.astype(jnp.int32)
    packed = idx32 | (element_mask.astype(jnp.int32) << 8)
    combined = jnp.concatenate([
        fraction_pred.reshape(-1),
        element_fractions.reshape(-1),
        lax.bitcast_convert_type(packed, jnp.float32).reshape(-1),
        element_count_pred.astype(jnp.float32),
    ])

    mesh = plsc.VectorSubcoreMesh(core_axis_name="c", subcore_axis_name="s",
                                  num_cores=NC, num_subcores=NS)
    run = pl.kernel(
        _body,
        out_type=jax.ShapeDtypeStruct((NW, 16), jnp.float32),
        mesh=mesh,
        compiler_params=pltpu.CompilerParams(needs_layout_passes=False),
        scratch_types=[
            pltpu.VMEM((V_LEN,), jnp.float32),
            pltpu.VMEM((128,), jnp.float32),
            pltpu.VMEM((128,), jnp.float32),
            pltpu.VMEM((16,), jnp.float32),
            pltpu.SemaphoreType.DMA,
        ],
    )
    partials = run(combined)
    p = partials.sum(axis=0)
    s_mse, s_cnt, s_cos, s_comp = p[0], p[1], p[2], p[3]
    stoich_mse = FRACTION_MSE_W * s_mse / B
    element_count_loss = ELEMENT_COUNT_W * s_cnt / B
    stoich_total = stoich_mse + element_count_loss
    cosine_sim_mean = s_cos / B
    composition_mse = s_comp / (B * N_ELEMENTS)
    composition_loss = (1.0 - cosine_sim_mean) * COMP_SIM_W
    total = stoich_total + composition_loss
    return (stoich_mse, element_count_loss, stoich_total, cosine_sim_mean,
            composition_mse, composition_loss, total)

# --- scband reference (transcript-rebuilt; emitter-appended) ---
"""Pipeline reference for scband-combined-stoichiometry-loss-73306501808199 (READ-ONLY COPY).

The authoritative reference and input builder live on the scoring server;
editing this copy changes nothing except your own understanding.
"""

import jax, jax.numpy as jnp
import numpy as np

N_ELEMENTS = 118
FRACTION_MSE_WEIGHT = 5.0
ELEMENT_COUNT_WEIGHT = 1.0
COMPOSITION_SIMILARITY_WEIGHT = 2.0


def setup_inputs(seed: int = 0) -> dict:
    key = jax.random.key(seed)
    k1, k2, k3, k4, k5 = jax.random.split(key, 5)
    B, S = 16384, 16
    fraction_pred = jax.random.uniform(k1, (B, S), dtype=jnp.float32)
    element_fractions = jax.random.uniform(k2, (B, S), dtype=jnp.float32)
    element_mask = jax.random.randint(k3, (B, S), 0, 2).astype(jnp.bool_)
    element_count_pred = jax.random.uniform(k4, (B,), dtype=jnp.float32)
    element_indices = jax.random.randint(k5, (B, S), 0, 119)
    return {
        'fraction_pred': fraction_pred,
        'element_fractions': element_fractions,
        'element_mask': element_mask,
        'element_count_pred': element_count_pred,
        'element_indices': element_indices,
    }


def _composition_vector(element_indices, element_fractions, element_mask):
    B = element_indices.shape[0]
    valid_indices = jnp.clip(element_indices, 1, None) - 1
    masked_fractions = element_fractions * element_mask.astype(jnp.float32)
    comp = jnp.zeros((B, N_ELEMENTS), dtype=jnp.float32)
    comp = comp.at[jnp.arange(B)[:, None], valid_indices].add(masked_fractions)
    return comp


def reference(fraction_pred, element_fractions, element_mask, element_count_pred, element_indices):
    mask_float = element_mask.astype(jnp.float32)
    # StoichiometryMSELoss (use_log_scale=False)
    squared_error = (fraction_pred - element_fractions) ** 2
    masked_squared_error = squared_error * mask_float
    n_valid = jnp.clip(jnp.sum(mask_float, axis=1, keepdims=True), 1.0, None)
    per_sample_mse = jnp.sum(masked_squared_error, axis=1) / jnp.squeeze(n_valid, axis=-1)
    stoich_mse = jnp.mean(per_sample_mse) * FRACTION_MSE_WEIGHT
    element_count_target = jnp.sum(mask_float, axis=1)
    element_count_loss = jnp.mean((element_count_pred - element_count_target) ** 2) * ELEMENT_COUNT_WEIGHT
    stoich_total = stoich_mse + element_count_loss
    # CompositionVectorLoss
    pred_comp = _composition_vector(element_indices, fraction_pred, element_mask)
    target_comp = _composition_vector(element_indices, element_fractions, element_mask)
    num = jnp.sum(pred_comp * target_comp, axis=1)
    na = jnp.sqrt(jnp.sum(pred_comp ** 2, axis=1))
    nb = jnp.sqrt(jnp.sum(target_comp ** 2, axis=1))
    cosine_sim = num / (jnp.maximum(na, 1e-8) * jnp.maximum(nb, 1e-8))
    cosine_sim_mean = jnp.mean(cosine_sim)
    composition_mse = jnp.mean((pred_comp - target_comp) ** 2)
    composition_loss = (1.0 - cosine_sim_mean) * COMPOSITION_SIMILARITY_WEIGHT
    total = stoich_total + composition_loss
    return (stoich_mse, element_count_loss, stoich_total, cosine_sim_mean, composition_mse, composition_loss, total)

if __name__ == "__main__":
    import jax
    _d = setup_inputs()
    print(jax.jit(kernel)(*tuple(_d.values())))

</pallas_src>

<mosaic_0001>
#map = affine_map<(d0, d1) -> (0)>
#map1 = affine_map<(d0, d1) -> (0, 0)>
module attributes {stable_mosaic.version = 14 : i64} {
  func.func @_body(%arg0: i32, %arg1: i32, %arg2: memref<802816xf32, #tpu.memory_space<hbm>>, %arg3: memref<32x16xf32, #tpu.memory_space<hbm>>, %arg4: memref<25088xf32, #tpu.memory_space<vmem>>, %arg5: memref<128xf32, #tpu.memory_space<vmem>>, %arg6: memref<128xf32, #tpu.memory_space<vmem>>, %arg7: memref<16xf32, #tpu.memory_space<vmem>>, %arg8: memref<!tpu.dma_semaphore, #tpu.memory_space<semaphore_mem>>) attributes {dimension_semantics = [#tpu.dimension_semantics<core_parallel>, #tpu.dimension_semantics<subcore_parallel>], iteration_bounds = array<i64: 2, 16>, scalar_prefetch = 0 : i64, scratch_operands = 5 : i64, tpu.core_type = #tpu.core_type<sc_vector_subcore>, window_params = [{transform_indices = #map}, {transform_indices = #map1}]} {
    %mul3A = arith.constant 2 : i32
    %mul3A_0 = arith.muli %arg1, %mul3A : i32
    %add3A = arith.addi %mul3A_0, %arg0 : i32
    %mul3A_1 = arith.constant 8192 : i32
    %mul3A_2 = arith.muli %add3A, %mul3A_1 : i32
    %dma_start3A = arith.constant 0 : i32
    %dma_start3A_3 = tpu.memref_slice %arg4[%dma_start3A] : memref<25088xf32, #tpu.memory_space<vmem>> -> memref<8192xf32, #tpu.memory_space<vmem>>
    %dma_start3A_4 = tpu.memref_slice %arg2[%mul3A_2] : memref<802816xf32, #tpu.memory_space<hbm>> -> memref<8192xf32, #tpu.memory_space<hbm>>
    %dma_start3A_5 = arith.constant 0 : i32
    %dma_start3A_6 = tpu.memref_slice %arg4[%dma_start3A_5] : memref<25088xf32, #tpu.memory_space<vmem>> -> memref<8192xf32, #tpu.memory_space<vmem>>
    %dma_start3A_7 = tpu.memref_slice %arg2[%mul3A_2] : memref<802816xf32, #tpu.memory_space<hbm>> -> memref<8192xf32, #tpu.memory_space<hbm>>
    tpu.enqueue_dma source(%dma_start3A_7 : memref<8192xf32, #tpu.memory_space<hbm>>) target(%dma_start3A_6 : memref<8192xf32, #tpu.memory_space<vmem>>) target_semaphore(%arg8 : memref<!tpu.dma_semaphore, #tpu.memory_space<semaphore_mem>>)
    %add3A_8 = arith.constant 262144 : i32
    %add3A_9 = arith.addi %add3A_8, %mul3A_2 : i32
    %dma_start3A_10 = arith.constant 8192 : i32
    %dma_start3A_11 = tpu.memref_slice %arg4[%dma_start3A_10] : memref<25088xf32, #tpu.memory_space<vmem>> -> memref<8192xf32, #tpu.memory_space<vmem>>
    %dma_start3A_12 = tpu.memref_slice %arg2[%add3A_9] : memref<802816xf32, #tpu.memory_space<hbm>> -> memref<8192xf32, #tpu.memory_space<hbm>>
    %dma_start3A_13 = arith.constant 8192 : i32
    %dma_start3A_14 = tpu.memref_slice %arg4[%dma_start3A_13] : memref<25088xf32, #tpu.memory_space<vmem>> -> memref<8192xf32, #tpu.memory_space<vmem>>
    %dma_start3A_15 = tpu.memref_slice %arg2[%add3A_9] : memref<802816xf32, #tpu.memory_space<hbm>> -> memref<8192xf32, #tpu.memory_space<hbm>>
    tpu.enqueue_dma source(%dma_start3A_15 : memref<8192xf32, #tpu.memory_space<hbm>>) target(%dma_start3A_14 : memref<8192xf32, #tpu.memory_space<vmem>>) target_semaphore(%arg8 : memref<!tpu.dma_semaphore, #tpu.memory_space<semaphore_mem>>)
    %add3A_16 = arith.constant 524288 : i32
    %add3A_17 = arith.addi %add3A_16, %mul3A_2 : i32
    %dma_start3A_18 = arith.constant 16384 : i32
    %dma_start3A_19 = tpu.memref_slice %arg4[%dma_start3A_18] : memref<25088xf32, #tpu.memory_space<vmem>> -> memref<8192xf32, #tpu.memory_space<vmem>>
    %dma_start3A_20 = tpu.memref_slice %arg2[%add3A_17] : memref<802816xf32, #tpu.memory_space<hbm>> -> memref<8192xf32, #tpu.memory_space<hbm>>
    %dma_start3A_21 = arith.constant 16384 : i32
    %dma_start3A_22 = tpu.memref_slice %arg4[%dma_start3A_21] : memref<25088xf32, #tpu.memory_space<vmem>> -> memref<8192xf32, #tpu.memory_space<vmem>>
    %dma_start3A_23 = tpu.memref_slice %arg2[%add3A_17] : memref<802816xf32, #tpu.memory_space<hbm>> -> memref<8192xf32, #tpu.memory_space<hbm>>
    tpu.enqueue_dma source(%dma_start3A_23 : memref<8192xf32, #tpu.memory_space<hbm>>) target(%dma_start3A_22 : memref<8192xf32, #tpu.memory_space<vmem>>) target_semaphore(%arg8 : memref<!tpu.dma_semaphore, #tpu.memory_space<semaphore_mem>>)
    %mul3A_24 = arith.constant 512 : i32
    %mul3A_25 = arith.muli %add3A, %mul3A_24 : i32
    %add3A_26 = arith.constant 786432 : i32
    %add3A_27 = arith.addi %add3A_26, %mul3A_25 : i32
    %dma_start3A_28 = arith.constant 24576 : i32
    %dma_start3A_29 = tpu.memref_slice %arg4[%dma_start3A_28] : memref<25088xf32, #tpu.memory_space<vmem>> -> memref<512xf32, #tpu.memory_space<vmem>>
    %dma_start3A_30 = tpu.memref_slice %arg2[%add3A_27] : memref<802816xf32, #tpu.memory_space<hbm>> -> memref<512xf32, #tpu.memory_space<hbm>>
    %dma_start3A_31 = arith.constant 24576 : i32
    %dma_start3A_32 = tpu.memref_slice %arg4[%dma_start3A_31] : memref<25088xf32, #tpu.memory_space<vmem>> -> memref<512xf32, #tpu.memory_space<vmem>>
    %dma_start3A_33 = tpu.memref_slice %arg2[%add3A_27] : memref<802816xf32, #tpu.memory_space<hbm>> -> memref<512xf32, #tpu.memory_space<hbm>>
    tpu.enqueue_dma source(%dma_start3A_33 : memref<512xf32, #tpu.memory_space<hbm>>) target(%dma_start3A_32 : memref<512xf32, #tpu.memory_space<vmem>>) target_semaphore(%arg8 : memref<!tpu.dma_semaphore, #tpu.memory_space<semaphore_mem>>)
    %dma_wait3A = arith.constant 0 : i32
    %dma_wait3A_34 = tpu.memref_slice %arg4[%dma_wait3A] : memref<25088xf32, #tpu.memory_space<vmem>> -> memref<8192xf32, #tpu.memory_space<vmem>>
    %dma_wait3A_35 = tpu.memref_slice %arg2[%mul3A_2] : memref<802816xf32, #tpu.memory_space<hbm>> -> memref<8192xf32, #tpu.memory_space<hbm>>
    %dma_wait3A_36 = arith.constant 0 : i32
    %dma_wait3A_37 = tpu.memref_slice %arg4[%dma_wait3A_36] : memref<25088xf32, #tpu.memory_space<vmem>> -> memref<8192xf32, #tpu.memory_space<vmem>>
    %dma_wait3A_38 = tpu.memref_slice %arg2[%mul3A_2] : memref<802816xf32, #tpu.memory_space<hbm>> -> memref<8192xf32, #tpu.memory_space<hbm>>
    tpu.wait_dma2 semaphore(%arg8 : memref<!tpu.dma_semaphore, #tpu.memory_space<semaphore_mem>>) src(%dma_wait3A_38 : memref<8192xf32, #tpu.memory_space<hbm>>) dst(%dma_wait3A_37 : memref<8192xf32, #tpu.memory_space<vmem>>)
    %dma_wait3A_39 = arith.constant 8192 : i32
    %dma_wait3A_40 = tpu.memref_slice %arg4[%dma_wait3A_39] : memref<25088xf32, #tpu.memory_space<vmem>> -> memref<8192xf32, #tpu.memory_space<vmem>>
    %dma_wait3A_41 = tpu.memref_slice %arg2[%add3A_9] : memref<802816xf32, #tpu.memory_space<hbm>> -> memref<8192xf32, #tpu.memory_space<hbm>>
    %dma_wait3A_42 = arith.constant 8192 : i32
    %dma_wait3A_43 = tpu.memref_slice %arg4[%dma_wait3A_42] : memref<25088xf32, #tpu.memory_space<vmem>> -> memref<8192xf32, #tpu.memory_space<vmem>>
    %dma_wait3A_44 = tpu.memref_slice %arg2[%add3A_9] : memref<802816xf32, #tpu.memory_space<hbm>> -> memref<8192xf32, #tpu.memory_space<hbm>>
    tpu.wait_dma2 semaphore(%arg8 : memref<!tpu.dma_semaphore, #tpu.memory_space<semaphore_mem>>) src(%dma_wait3A_44 : memref<8192xf32, #tpu.memory_space<hbm>>) dst(%dma_wait3A_43 : memref<8192xf32, #tpu.memory_space<vmem>>)
    %dma_wait3A_45 = arith.constant 16384 : i32
    %dma_wait3A_46 = tpu.memref_slice %arg4[%dma_wait3A_45] : memref<25088xf32, #tpu.memory_space<vmem>> -> memref<8192xf32, #tpu.memory_space<vmem>>
    %dma_wait3A_47 = tpu.memref_slice %arg2[%add3A_17] : memref<802816xf32, #tpu.memory_space<hbm>> -> memref<8192xf32, #tpu.memory_space<hbm>>
    %dma_wait3A_48 = arith.constant 16384 : i32
    %dma_wait3A_49 = tpu.memref_slice %arg4[%dma_wait3A_48] : memref<25088xf32, #tpu.memory_space<vmem>> -> memref<8192xf32, #tpu.memory_space<vmem>>
    %dma_wait3A_50 = tpu.memref_slice %arg2[%add3A_17] : memref<802816xf32, #tpu.memory_space<hbm>> -> memref<8192xf32, #tpu.memory_space<hbm>>
    tpu.wait_dma2 semaphore(%arg8 : memref<!tpu.dma_semaphore, #tpu.memory_space<semaphore_mem>>) src(%dma_wait3A_50 : memref<8192xf32, #tpu.memory_space<hbm>>) dst(%dma_wait3A_49 : memref<8192xf32, #tpu.memory_space<vmem>>)
    %dma_wait3A_51 = arith.constant 24576 : i32
    %dma_wait3A_52 = tpu.memref_slice %arg4[%dma_wait3A_51] : memref<25088xf32, #tpu.memory_space<vmem>> -> memref<512xf32, #tpu.memory_space<vmem>>
    %dma_wait3A_53 = tpu.memref_slice %arg2[%add3A_27] : memref<802816xf32, #tpu.memory_space<hbm>> -> memref<512xf32, #tpu.memory_space<hbm>>
    %dma_wait3A_54 = arith.constant 24576 : i32
    %dma_wait3A_55 = tpu.memref_slice %arg4[%dma_wait3A_54] : memref<25088xf32, #tpu.memory_space<vmem>> -> memref<512xf32, #tpu.memory_space<vmem>>
    %dma_wait3A_56 = tpu.memref_slice %arg2[%add3A_27] : memref<802816xf32, #tpu.memory_space<hbm>> -> memref<512xf32, #tpu.memory_space<hbm>>
    tpu.wait_dma2 semaphore(%arg8 : memref<!tpu.dma_semaphore, #tpu.memory_space<semaphore_mem>>) src(%dma_wait3A_56 : memref<512xf32, #tpu.memory_space<hbm>>) dst(%dma_wait3A_55 : memref<512xf32, #tpu.memory_space<vmem>>)
    %broadcast_in_dim3A = arith.constant 0.000000e+00 : f32
    %broadcast_in_dim3A_57 = vector.broadcast %broadcast_in_dim3A : f32 to vector<16xf32>
    %swap3A = arith.constant 0 : index
    %swap3A_58 = tpu.vector_load %arg5[%swap3A] {strides = array<i32>} : memref<128xf32, #tpu.memory_space<vmem>>, vector<16xf32>,
    tpu.vector_store %arg5[%swap3A], %broadcast_in_dim3A_57 {strides = array<i32>} : memref<128xf32, #tpu.memory_space<vmem>>, vector<16xf32>,
    %swap3A_59 = arith.constant 0 : index
    %swap3A_60 = tpu.vector_load %arg6[%swap3A_59] {strides = array<i32>} : memref<128xf32, #tpu.memory_space<vmem>>, vector<16xf32>,
    tpu.vector_store %arg6[%swap3A_59], %broadcast_in_dim3A_57 {strides = array<i32>} : memref<128xf32, #tpu.memory_space<vmem>>, vector<16xf32>,
    %swap3A_61 = arith.constant 16 : index
    %swap3A_62 = tpu.vector_load %arg5[%swap3A_61] {strides = array<i32>} : memref<128xf32, #tpu.memory_space<vmem>>, vector<16xf32>,
    tpu.vector_store %arg5[%swap3A_61], %broadcast_in_dim3A_57 {strides = array<i32>} : memref<128xf32, #tpu.memory_space<vmem>>, vector<16xf32>,
    %swap3A_63 = arith.constant 16 : index
    %swap3A_64 = tpu.vector_load %arg6[%swap3A_63] {strides = array<i32>} : memref<128xf32, #tpu.memory_space<vmem>>, vector<16xf32>,
    tpu.vector_store %arg6[%swap3A_63], %broadcast_in_dim3A_57 {strides = array<i32>} : memref<128xf32, #tpu.memory_space<vmem>>, vector<16xf32>,
    %swap3A_65 = arith.constant 32 : index
    %swap3A_66 = tpu.vector_load %arg5[%swap3A_65] {strides = array<i32>} : memref<128xf32, #tpu.memory_space<vmem>>, vector<16xf32>,
    tpu.vector_store %arg5[%swap3A_65], %broadcast_in_dim3A_57 {strides = array<i32>} : memref<128xf32, #tpu.memory_space<vmem>>, vector<16xf32>,
    %swap3A_67 = arith.constant 32 : index
    %swap3A_68 = tpu.vector_load %arg6[%swap3A_67] {strides = array<i32>} : memref<128xf32, #tpu.memory_space<vmem>>, vector<16xf32>,
    tpu.vector_store %arg6[%swap3A_67], %broadcast_in_dim3A_57 {strides = array<i32>} : memref<128xf32, #tpu.memory_space<vmem>>, vector<16xf32>,
    %swap3A_69 = arith.constant 48 : index
    %swap3A_70 = tpu.vector_load %arg5[%swap3A_69] {strides = array<i32>} : memref<128xf32, #tpu.memory_space<vmem>>, vector<16xf32>,
    tpu.vector_store %arg5[%swap3A_69], %broadcast_in_dim3A_57 {strides = array<i32>} : memref<128xf32, #tpu.memory_space<vmem>>, vector<16xf32>,
    %swap3A_71 = arith.constant 48 : index
    %swap3A_72 = tpu.vector_load %arg6[%swap3A_71] {strides = array<i32>} : memref<128xf32, #tpu.memory_space<vmem>>, vector<16xf32>,
    tpu.vector_store %arg6[%swap3A_71], %broadcast_in_dim3A_57 {strides = array<i32>} : memref<128xf32, #tpu.memory_space<vmem>>, vector<16xf32>,
    %swap3A_73 = arith.constant 64 : index
    %swap3A_74 = tpu.vector_load %arg5[%swap3A_73] {strides = array<i32>} : memref<128xf32, #tpu.memory_space<vmem>>, vector<16xf32>,
    tpu.vector_store %arg5[%swap3A_73], %broadcast_in_dim3A_57 {strides = array<i32>} : memref<128xf32, #tpu.memory_space<vmem>>, vector<16xf32>,
    %swap3A_75 = arith.constant 64 : index
    %swap3A_76 = tpu.vector_load %arg6[%swap3A_75] {strides = array<i32>} : memref<128xf32, #tpu.memory_space<vmem>>, vector<16xf32>,
    tpu.vector_store %arg6[%swap3A_75], %broadcast_in_dim3A_57 {strides = array<i32>} : memref<128xf32, #tpu.memory_space<vmem>>, vector<16xf32>,
    %swap3A_77 = arith.constant 80 : index
    %swap3A_78 = tpu.vector_load %arg5[%swap3A_77] {strides = array<i32>} : memref<128xf32, #tpu.memory_space<vmem>>, vector<16xf32>,
    tpu.vector_store %arg5[%swap3A_77], %broadcast_in_dim3A_57 {strides = array<i32>} : memref<128xf32, #tpu.memory_space<vmem>>, vector<16xf32>,
    %swap3A_79 = arith.constant 80 : index
    %swap3A_80 = tpu.vector_load %arg6[%swap3A_79] {strides = array<i32>} : memref<128xf32, #tpu.memory_space<vmem>>, vector<16xf32>,
    tpu.vector_store %arg6[%swap3A_79], %broadcast_in_dim3A_57 {strides = array<i32>} : memref<128xf32, #tpu.memory_space<vmem>>, vector<16xf32>,
    %swap3A_81 = arith.constant 96 : index
    %swap3A_82 = tpu.vector_load %arg5[%swap3A_81] {strides = array<i32>} : memref<128xf32, #tpu.memory_space<vmem>>, vector<16xf32>,
    tpu.vector_store %arg5[%swap3A_81], %broadcast_in_dim3A_57 {strides = array<i32>} : memref<128xf32, #tpu.memory_space<vmem>>, vector<16xf32>,
    %swap3A_83 = arith.constant 96 : index
    %swap3A_84 = tpu.vector_load %arg6[%swap3A_83] {strides = array<i32>} : memref<128xf32, #tpu.memory_space<vmem>>, vector<16xf32>,
    tpu.vector_store %arg6[%swap3A_83], %broadcast_in_dim3A_57 {strides = array<i32>} : memref<128xf32, #tpu.memory_space<vmem>>, vector<16xf32>,
    %swap3A_85 = arith.constant 112 : index
    %swap3A_86 = tpu.vector_load %arg5[%swap3A_85] {strides = array<i32>} : memref<128xf32, #tpu.memory_space<vmem>>, vector<16xf32>,
    tpu.vector_store %arg5[%swap3A_85], %broadcast_in_dim3A_57 {strides = array<i32>} : memref<128xf32, #tpu.memory_space<vmem>>, vector<16xf32>,
    %swap3A_87 = arith.constant 112 : index
    %swap3A_88 = tpu.vector_load %arg6[%swap3A_87] {strides = array<i32>} : memref<128xf32, #tpu.memory_space<vmem>>, vector<16xf32>,
    tpu.vector_store %arg6[%swap3A_87], %broadcast_in_dim3A_57 {strides = array<i32>} : memref<128xf32, #tpu.memory_space<vmem>>, vector<16xf32>,
    %iota3A = tpu.iota {dimensions = array<i32: 0>} : vector<16xi32>
    %scan3A = arith.constant 0 : i32
    %scan3A_89 = arith.constant 32 : i32
    %scan3A_90 = arith.addi %scan3A, %scan3A_89 : i32
    %scan3A_91 = arith.constant 1 : i32
    %scan3A_92:4 = scf.for %scan3A_131 = %scan3A to %scan3A_90 step %scan3A_91 iter_args(%scan3A_132 = %broadcast_in_dim3A_57, %scan3A_133 = %broadcast_in_dim3A_57, %scan3A_134 = %broadcast_in_dim3A_57, %scan3A_135 = %broadcast_in_dim3A_57) -> (vector<16xf32>, vector<16xf32>, vector<16xf32>, vector<16xf32>)  : i32 {
      %mul3A_136 = arith.constant 256 : i32
      %mul3A_137 = arith.muli %scan3A_131, %mul3A_136 : i32
      %add3A_138 = arith.constant 0 : i32
      %add3A_139 = arith.addi %mul3A_137, %add3A_138 : i32
      %get3A = arith.index_cast %add3A_139 : i32 to index
      %get3A_140 = tpu.vector_load %arg4[%get3A] {strides = array<i32>} : memref<25088xf32, #tpu.memory_space<vmem>>, vector<16xf32>,
      %add3A_141 = arith.constant 8192 : i32
      %add3A_142 = arith.addi %add3A_141, %add3A_139 : i32
      %get3A_143 = arith.index_cast %add3A_142 : i32 to index
      %get3A_144 = tpu.vector_load %arg4[%get3A_143] {strides = array<i32>} : memref<25088xf32, #tpu.memory_space<vmem>>, vector<16xf32>,
      %add3A_145 = arith.constant 16384 : i32
      %add3A_146 = arith.addi %add3A_145, %add3A_139 : i32
      %get3A_147 = arith.index_cast %add3A_146 : i32 to index
      %get3A_148 = tpu.vector_load %arg4[%get3A_147] {strides = array<i32>} : memref<25088xf32, #tpu.memory_space<vmem>>, vector<16xf32>,
      %bitcast3A = vector.bitcast %get3A_148 : vector<16xf32> to vector<16xi32>
      %shift_right_arithmetic3A = arith.constant 8 : i32
      %shift_right_arithmetic3A_149 = vector.broadcast %shift_right_arithmetic3A : i32 to vector<16xi32>
      %shift_right_arithmetic3A_150 = arith.shrsi %bitcast3A, %shift_right_arithmetic3A_149 : vector<16xi32>
      %convert_element_type3A = arith.sitofp %shift_right_arithmetic3A_150 : vector<16xi32> to vector<16xf32>
      %and3A = arith.constant 255 : i32
      %and3A_151 = vector.broadcast %and3A : i32 to vector<16xi32>
      %and3A_152 = arith.andi %bitcast3A, %and3A_151 : vector<16xi32>
      %max3A = arith.constant 1 : i32
      %max3A_153 = vector.broadcast %max3A : i32 to vector<16xi32>
      %max3A_154 = arith.maxsi %and3A_152, %max3A_153 : vector<16xi32>
      %sub3A = arith.constant 1 : i32
      %sub3A_155 = vector.broadcast %sub3A : i32 to vector<16xi32>
      %sub3A_156 = arith.subi %max3A_154, %sub3A_155 : vector<16xi32>
      %mul3A_157 = arith.mulf %get3A_140, %convert_element_type3A : vector<16xf32>
      %mul3A_158 = arith.mulf %get3A_144, %convert_element_type3A : vector<16xf32>
      %sub3A_159 = arith.subf %get3A_140, %get3A_144 : vector<16xf32>
      %mul3A_160 = arith.mulf %sub3A_159, %sub3A_159 : vector<16xf32>
      %mul3A_161 = arith.mulf %mul3A_160, %convert_element_type3A : vector<16xf32>
      %ne3A = arith.constant 0 : i32
      %ne3A_162 = vector.broadcast %ne3A : i32 to vector<16xi32>
      %ne3A_163 = arith.cmpi ne, %shift_right_arithmetic3A_150, %ne3A_162 : vector<16xi32>
      %all_reduce_population_count3A = tpu.all_reduce %ne3A_163 {dim = 0 : i64, kind = #tpu.reduction_kind<sum>} : vector<16xi1> -> vector<16xi32>
      %convert_element_type3A_164 = arith.sitofp %all_reduce_population_count3A : vector<16xi32> to vector<16xf32>
      %max3A_165 = arith.constant 1.000000e+00 : f32
      %max3A_166 = vector.broadcast %max3A_165 : f32 to vector<16xf32>
      %max3A_167 = arith.maximumf %convert_element_type3A_164, %max3A_166 : vector<16xf32>
      %div3A = arith.divf %mul3A_161, %max3A_167 : vector<16xf32>
      %add3A_168 = arith.addf %scan3A_132, %div3A : vector<16xf32>
      tpu.vector_store_idx %arg5[%sub3A_156], %mul3A_157 {add = true} : memref<128xf32, #tpu.memory_space<vmem>>[vector<16xi32>], vector<16xf32>,
      tpu.vector_store_idx %arg6[%sub3A_156], %mul3A_158 {add = true} : memref<128xf32, #tpu.memory_space<vmem>>[vector<16xi32>], vector<16xf32>,
      %gather3A = tpu.vector_load_idx %arg5[%sub3A_156] : memref<128xf32, #tpu.memory_space<vmem>>[vector<16xi32>], vector<16xf32>,
      %gather3A_169 = tpu.vector_load_idx %arg6[%sub3A_156] : memref<128xf32, #tpu.memory_space<vmem>>[vector<16xi32>], vector<16xf32>,
      tpu.vector_store_idx %arg5[%sub3A_156], %broadcast_in_dim3A_57 : memref<128xf32, #tpu.memory_space<vmem>>[vector<16xi32>], vector<16xf32>,
      tpu.vector_store_idx %arg6[%sub3A_156], %broadcast_in_dim3A_57 : memref<128xf32, #tpu.memory_space<vmem>>[vector<16xi32>], vector<16xf32>,
      %mul3A_170 = arith.mulf %mul3A_157, %gather3A : vector<16xf32>
      %reduce_sum3A_171 = arith.constant true
      %reduce_sum3A_172 = vector.broadcast %reduce_sum3A_171 : i1 to vector<16xi1>
      %reduce_sum3A_173 = tpu.scan <sum>, %mul3A_170 masked %reduce_sum3A_172 : vector<16xf32>, vector<16xi1> -> vector<16xf32>
      %reduce_sum3A_174 = vector.extract %reduce_sum3A_173[15] : f32 from vector<16xf32>
      %mul3A_175 = arith.mulf %mul3A_158, %gather3A_169 : vector<16xf32>
      %reduce_sum3A_176 = arith.constant true
      %reduce_sum3A_177 = vector.broadcast %reduce_sum3A_176 : i1 to vector<16xi1>
      %reduce_sum3A_178 = tpu.scan <sum>, %mul3A_175 masked %reduce_sum3A_177 : vector<16xf32>, vector<16xi1> -> vector<16xf32>
      %reduce_sum3A_179 = vector.extract %reduce_sum3A_178[15] : f32 from vector<16xf32>
      %mul3A_180 = arith.mulf %mul3A_157, %gather3A_169 : vector<16xf32>
      %reduce_sum3A_181 = arith.constant true
      %reduce_sum3A_182 = vector.broadcast %reduce_sum3A_181 : i1 to vector<16xi1>
      %reduce_sum3A_183 = tpu.scan <sum>, %mul3A_180 masked %reduce_sum3A_182 : vector<16xf32>, vector<16xi1> -> vector<16xf32>
      %reduce_sum3A_184 = vector.extract %reduce_sum3A_183[15] : f32 from vector<16xf32>
      %eq3A_185 = arith.constant 0 : i32
      %eq3A_186 = vector.broadcast %eq3A_185 : i32 to vector<16xi32>
      %eq3A_187 = arith.cmpi eq, %iota3A, %eq3A_186 : vector<16xi32>
      %broadcast_in_dim3A_188 = vector.broadcast %reduce_sum3A_174 : f32 to vector<16xf32>
      %select_n3A_189 = arith.select %eq3A_187, %broadcast_in_dim3A_188, %broadcast_in_dim3A_57 : vector<16xi1>, vector<16xf32>
      %broadcast_in_dim3A_190 = vector.broadcast %reduce_sum3A_179 : f32 to vector<16xf32>
      %select_n3A_191 = arith.select %eq3A_187, %broadcast_in_dim3A_190, %broadcast_in_dim3A_57 : vector<16xi1>, vector<16xf32>
      %broadcast_in_dim3A_192 = vector.broadcast %reduce_sum3A_184 : f32 to vector<16xf32>
      %select_n3A_193 = arith.select %eq3A_187, %broadcast_in_dim3A_192, %broadcast_in_dim3A_57 : vector<16xi1>, vector<16xf32>
      %select_n3A_194 = arith.select %eq3A_187, %convert_element_type3A_164, %broadcast_in_dim3A_57 : vector<16xi1>, vector<16xf32>
      %mul3A_195 = arith.constant 256 : i32
      %mul3A_196 = arith.muli %scan3A_131, %mul3A_195 : i32
      %add3A_197 = arith.constant 16 : i32
      %add3A_198 = arith.addi %mul3A_196, %add3A_197 : i32
      %get3A_199 = arith.index_cast %add3A_198 : i32 to index
      %get3A_200 = tpu.vector_load %arg4[%get3A_199] {strides = array<i32>} : memref<25088xf32, #tpu.memory_space<vmem>>, vector<16xf32>,
      %add3A_201 = arith.constant 8192 : i32
      %add3A_202 = arith.addi %add3A_201, %add3A_198 : i32
      %get3A_203 = arith.index_cast %add3A_202 : i32 to index
      %get3A_204 = tpu.vector_load %arg4[%get3A_203] {strides = array<i32>} : memref<25088xf32, #tpu.memory_space<vmem>>, vector<16xf32>,
      %add3A_205 = arith.constant 16384 : i32
      %add3A_206 = arith.addi %add3A_205, %add3A_198 : i32
      %get3A_207 = arith.index_cast %add3A_206 : i32 to index
      %get3A_208 = tpu.vector_load %arg4[%get3A_207] {strides = array<i32>} : memref<25088xf32, #tpu.memory_space<vmem>>, vector<16xf32>,
      %bitcast3A_209 = vector.bitcast %get3A_208 : vector<16xf32> to vector<16xi32>
      %shift_right_arithmetic3A_210 = arith.constant 8 : i32
      %shift_right_arithmetic3A_211 = vector.broadcast %shift_right_arithmetic3A_210 : i32 to vector<16xi32>
      %shift_right_arithmetic3A_212 = arith.shrsi %bitcast3A_209, %shift_right_arithmetic3A_211 : vector<16xi32>
      %convert_element_type3A_213 = arith.sitofp %shift_right_arithmetic3A_212 : vector<16xi32> to vector<16xf32>
      %and3A_214 = arith.constant 255 : i32
      %and3A_215 = vector.broadcast %and3A_214 : i32 to vector<16xi32>
      %and3A_216 = arith.andi %bitcast3A_209, %and3A_215 : vector<16xi32>
      %max3A_217 = arith.constant 1 : i32
      %max3A_218 = vector.broadcast %max3A_217 : i32 to vector<16xi32>
      %max3A_219 = arith.maxsi %and3A_216, %max3A_218 : vector<16xi32>
      %sub3A_220 = arith.constant 1 : i32
      %sub3A_221 = vector.broadcast %sub3A_220 : i32 to vector<16xi32>
      %sub3A_222 = arith.subi %max3A_219, %sub3A_221 : vector<16xi32>
      %mul3A_223 = arith.mulf %get3A_200, %convert_element_type3A_213 : vector<16xf32>
      %mul3A_224 = arith.mulf %get3A_204, %convert_element_type3A_213 : vector<16xf32>
      %sub3A_225 = arith.subf %get3A_200, %get3A_204 : vector<16xf32>
      %mul3A_226 = arith.mulf %sub3A_225, %sub3A_225 : vector<16xf32>
      %mul3A_227 = arith.mulf %mul3A_226, %convert_element_type3A_213 : vector<16xf32>
      %ne3A_228 = arith.constant 0 : i32
      %ne3A_229 = vector.broadcast %ne3A_228 : i32 to vector<16xi32>
      %ne3A_230 = arith.cmpi ne, %shift_right_arithmetic3A_212, %ne3A_229 : vector<16xi32>
      %all_reduce_population_count3A_231 = tpu.all_reduce %ne3A_230 {dim = 0 : i64, kind = #tpu.reduction_kind<sum>} : vector<16xi1> -> vector<16xi32>
      %convert_element_type3A_232 = arith.sitofp %all_reduce_population_count3A_231 : vector<16xi32> to vector<16xf32>
      %max3A_233 = arith.constant 1.000000e+00 : f32
      %max3A_234 = vector.broadcast %max3A_233 : f32 to vector<16xf32>
      %max3A_235 = arith.maximumf %convert_element_type3A_232, %max3A_234 : vector<16xf32>
      %div3A_236 = arith.divf %mul3A_227, %max3A_235 : vector<16xf32>
      %add3A_237 = arith.addf %add3A_168, %div3A_236 : vector<16xf32>
      tpu.vector_store_idx %arg5[%sub3A_222], %mul3A_223 {add = true} : memref<128xf32, #tpu.memory_space<vmem>>[vector<16xi32>], vector<16xf32>,
      tpu.vector_store_idx %arg6[%sub3A_222], %mul3A_224 {add = true} : memref<128xf32, #tpu.memory_space<vmem>>[vector<16xi32>], vector<16xf32>,
      %gather3A_238 = tpu.vector_load_idx %arg5[%sub3A_222] : memref<128xf32, #tpu.memory_space<vmem>>[vector<16xi32>], vector<16xf32>,
      %gather3A_239 = tpu.vector_load_idx %arg6[%sub3A_222] : memref<128xf32, #tpu.memory_space<vmem>>[vector<16xi32>], vector<16xf32>,
      tpu.vector_store_idx %arg5[%sub3A_222], %broadcast_in_dim3A_57 : memref<128xf32, #tpu.memory_space<vmem>>[vector<16xi32>], vector<16xf32>,
      tpu.vector_store_idx %arg6[%sub3A_222], %broadcast_in_dim3A_57 : memref<128xf32, #tpu.memory_space<vmem>>[vector<16xi32>], vector<16xf32>,
      %mul3A_240 = arith.mulf %mul3A_223, %gather3A_238 : vector<16xf32>
      %reduce_sum3A_241 = arith.constant true
      %reduce_sum3A_242 = vector.broadcast %reduce_sum3A_241 : i1 to vector<16xi1>
      %reduce_sum3A_243 = tpu.scan <sum>, %mul3A_240 masked %reduce_sum3A_242 : vector<16xf32>, vector<16xi1> -> vector<16xf32>
      %reduce_sum3A_244 = vector.extract %reduce_sum3A_243[15] : f32 from vector<16xf32>
      %mul3A_245 = arith.mulf %mul3A_224, %gather3A_239 : vector<16xf32>
      %reduce_sum3A_246 = arith.constant true
      %reduce_sum3A_247 = vector.broadcast %reduce_sum3A_246 : i1 to vector<16xi1>
      %reduce_sum3A_248 = tpu.scan <sum>, %mul3A_245 masked %reduce_sum3A_247 : vector<16xf32>, vector<16xi1> -> vector<16xf32>
      %reduce_sum3A_249 = vector.extract %reduce_sum3A_248[15] : f32 from vector<16xf32>
      %mul3A_250 = arith.mulf %mul3A_223, %gather3A_239 : vector<16xf32>
      %reduce_sum3A_251 = arith.constant true
      %reduce_sum3A_252 = vector.broadcast %reduce_sum3A_251 : i1 to vector<16xi1>
      %reduce_sum3A_253 = tpu.scan <sum>, %mul3A_250 masked %reduce_sum3A_252 : vector<16xf32>, vector<16xi1> -> vector<16xf32>
      %reduce_sum3A_254 = vector.extract %reduce_sum3A_253[15] : f32 from vector<16xf32>
      %eq3A_255 = arith.constant 1 : i32
      %eq3A_256 = vector.broadcast %eq3A_255 : i32 to vector<16xi32>
      %eq3A_257 = arith.cmpi eq, %iota3A, %eq3A_256 : vector<16xi32>
      %broadcast_in_dim3A_258 = vector.broadcast %reduce_sum3A_244 : f32 to vector<16xf32>
      %select_n3A_259 = arith.select %eq3A_257, %broadcast_in_dim3A_258, %select_n3A_189 : vector<16xi1>, vector<16xf32>
      %broadcast_in_dim3A_260 = vector.broadcast %reduce_sum3A_249 : f32 to vector<16xf32>
      %select_n3A_261 = arith.select %eq3A_257, %broadcast_in_dim3A_260, %select_n3A_191 : vector<16xi1>, vector<16xf32>
      %broadcast_in_dim3A_262 = vector.broadcast %reduce_sum3A_254 : f32 to vector<16xf32>
      %select_n3A_263 = arith.select %eq3A_257, %broadcast_in_dim3A_262, %select_n3A_193 : vector<16xi1>, vector<16xf32>
      %select_n3A_264 = arith.select %eq3A_257, %convert_element_type3A_232, %select_n3A_194 : vector<16xi1>, vector<16xf32>
      %mul3A_265 = arith.constant 256 : i32
      %mul3A_266 = arith.muli %scan3A_131, %mul3A_265 : i32
      %add3A_267 = arith.constant 32 : i32
      %add3A_268 = arith.addi %mul3A_266, %add3A_267 : i32
      %get3A_269 = arith.index_cast %add3A_268 : i32 to index
      %get3A_270 = tpu.vector_load %arg4[%get3A_269] {strides = array<i32>} : memref<25088xf32, #tpu.memory_space<vmem>>, vector<16xf32>,
      %add3A_271 = arith.constant 8192 : i32
      %add3A_272 = arith.addi %add3A_271, %add3A_268 : i32
      %get3A_273 = arith.index_cast %add3A_272 : i32 to index
      %get3A_274 = tpu.vector_load %arg4[%get3A_273] {strides = array<i32>} : memref<25088xf32, #tpu.memory_space<vmem>>, vector<16xf32>,
      %add3A_275 = arith.constant 16384 : i32
      %add3A_276 = arith.addi %add3A_275, %add3A_268 : i32
      %get3A_277 = arith.index_cast %add3A_276 : i32 to index
      %get3A_278 = tpu.vector_load %arg4[%get3A_277] {strides = array<i32>} : memref<25088xf32, #tpu.memory_space<vmem>>, vector<16xf32>,
      %bitcast3A_279 = vector.bitcast %get3A_278 : vector<16xf32> to vector<16xi32>
      %shift_right_arithmetic3A_280 = arith.constant 8 : i32
      %shift_right_arithmetic3A_281 = vector.broadcast %shift_right_arithmetic3A_280 : i32 to vector<16xi32>
      %shift_right_arithmetic3A_282 = arith.shrsi %bitcast3A_279, %shift_right_arithmetic3A_281 : vector<16xi32>
      %convert_element_type3A_283 = arith.sitofp %shift_right_arithmetic3A_282 : vector<16xi32> to vector<16xf32>
      %and3A_284 = arith.constant 255 : i32
      %and3A_285 = vector.broadcast %and3A_284 : i32 to vector<16xi32>
      %and3A_286 = arith.andi %bitcast3A_279, %and3A_285 : vector<16xi32>
      %max3A_287 = arith.constant 1 : i32
      %max3A_288 = vector.broadcast %max3A_287 : i32 to vector<16xi32>
      %max3A_289 = arith.maxsi %and3A_286, %max3A_288 : vector<16xi32>
      %sub3A_290 = arith.constant 1 : i32
      %sub3A_291 = vector.broadcast %sub3A_290 : i32 to vector<16xi32>
      %sub3A_292 = arith.subi %max3A_289, %sub3A_291 : vector<16xi32>
      %mul3A_293 = arith.mulf %get3A_270, %convert_element_type3A_283 : vector<16xf32>
      %mul3A_294 = arith.mulf %get3A_274, %convert_element_type3A_283 : vector<16xf32>
      %sub3A_295 = arith.subf %get3A_270, %get3A_274 : vector<16xf32>
      %mul3A_296 = arith.mulf %sub3A_295, %sub3A_295 : vector<16xf32>
      %mul3A_297 = arith.mulf %mul3A_296, %convert_element_type3A_283 : vector<16xf32>
      %ne3A_298 = arith.constant 0 : i32
      %ne3A_299 = vector.broadcast %ne3A_298 : i32 to vector<16xi32>
      %ne3A_300 = arith.cmpi ne, %shift_right_arithmetic3A_282, %ne3A_299 : vector<16xi32>
      %all_reduce_population_count3A_301 = tpu.all_reduce %ne3A_300 {dim = 0 : i64, kind = #tpu.reduction_kind<sum>} : vector<16xi1> -> vector<16xi32>
      %convert_element_type3A_302 = arith.sitofp %all_reduce_population_count3A_301 : vector<16xi32> to vector<16xf32>
      %max3A_303 = arith.constant 1.000000e+00 : f32
      %max3A_304 = vector.broadcast %max3A_303 : f32 to vector<16xf32>
      %max3A_305 = arith.maximumf %convert_element_type3A_302, %max3A_304 : vector<16xf32>
      %div3A_306 = arith.divf %mul3A_297, %max3A_305 : vector<16xf32>
      %add3A_307 = arith.addf %add3A_237, %div3A_306 : vector<16xf32>
      tpu.vector_store_idx %arg5[%sub3A_292], %mul3A_293 {add = true} : memref<128xf32, #tpu.memory_space<vmem>>[vector<16xi32>], vector<16xf32>,
      tpu.vector_store_idx %arg6[%sub3A_292], %mul3A_294 {add = true} : memref<128xf32, #tpu.memory_space<vmem>>[vector<16xi32>], vector<16xf32>,
      %gather3A_308 = tpu.vector_load_idx %arg5[%sub3A_292] : memref<128xf32, #tpu.memory_space<vmem>>[vector<16xi32>], vector<16xf32>,
      %gather3A_309 = tpu.vector_load_idx %arg6[%sub3A_292] : memref<128xf32, #tpu.memory_space<vmem>>[vector<16xi32>], vector<16xf32>,
      tpu.vector_store_idx %arg5[%sub3A_292], %broadcast_in_dim3A_57 : memref<128xf32, #tpu.memory_space<vmem>>[vector<16xi32>], vector<16xf32>,
      tpu.vector_store_idx %arg6[%sub3A_292], %broadcast_in_dim3A_57 : memref<128xf32, #tpu.memory_space<vmem>>[vector<16xi32>], vector<16xf32>,
      %mul3A_310 = arith.mulf %mul3A_293, %gather3A_308 : vector<16xf32>
      %reduce_sum3A_311 = arith.constant true
      %reduce_sum3A_312 = vector.broadcast %reduce_sum3A_311 : i1 to vector<16xi1>
      %reduce_sum3A_313 = tpu.scan <sum>, %mul3A_310 masked %reduce_sum3A_312 : vector<16xf32>, vector<16xi1> -> vector<16xf32>
      %reduce_sum3A_314 = vector.extract %reduce_sum3A_313[15] : f32 from vector<16xf32>
      %mul3A_315 = arith.mulf %mul3A_294, %gather3A_309 : vector<16xf32>
      %reduce_sum3A_316 = arith.constant true
      %reduce_sum3A_317 = vector.broadcast %reduce_sum3A_316 : i1 to vector<16xi1>
      %reduce_sum3A_318 = tpu.scan <sum>, %mul3A_315 masked %reduce_sum3A_317 : vector<16xf32>, vector<16xi1> -> vector<16xf32>
      %reduce_sum3A_319 = vector.extract %reduce_sum3A_318[15] : f32 from vector<16xf32>
      %mul3A_320 = arith.mulf %mul3A_293, %gather3A_309 : vector<16xf32>
      %reduce_sum3A_321 = arith.constant true
      %reduce_sum3A_322 = vector.broadcast %reduce_sum3A_321 : i1 to vector<16xi1>
      %reduce_sum3A_323 = tpu.scan <sum>, %mul3A_320 masked %reduce_sum3A_322 : vector<16xf32>, vector<16xi1> -> vector<16xf32>
      %reduce_sum3A_324 = vector.extract %reduce_sum3A_323[15] : f32 from vector<16xf32>
      %eq3A_325 = arith.constant 2 : i32
      %eq3A_326 = vector.broadcast %eq3A_325 : i32 to vector<16xi32>
      %eq3A_327 = arith.cmpi eq, %iota3A, %eq3A_326 : vector<16xi32>
      %broadcast_in_dim3A_328 = vector.broadcast %reduce_sum3A_314 : f32 to vector<16xf32>
      %select_n3A_329 = arith.select %eq3A_327, %broadcast_in_dim3A_328, %select_n3A_259 : vector<16xi1>, vector<16xf32>
      %broadcast_in_dim3A_330 = vector.broadcast %reduce_sum3A_319 : f32 to vector<16xf32>
      %select_n3A_331 = arith.select %eq3A_327, %broadcast_in_dim3A_330, %select_n3A_261 : vector<16xi1>, vector<16xf32>
      %broadcast_in_dim3A_332 = vector.broadcast %reduce_sum3A_324 : f32 to vector<16xf32>
      %select_n3A_333 = arith.select %eq3A_327, %broadcast_in_dim3A_332, %select_n3A_263 : vector<16xi1>, vector<16xf32>
      %select_n3A_334 = arith.select %eq3A_327, %convert_element_type3A_302, %select_n3A_264 : vector<16xi1>, vector<16xf32>
      %mul3A_335 = arith.constant 256 : i32
      %mul3A_336 = arith.muli %scan3A_131, %mul3A_335 : i32
      %add3A_337 = arith.constant 48 : i32
      %add3A_338 = arith.addi %mul3A_336, %add3A_337 : i32
      %get3A_339 = arith.index_cast %add3A_338 : i32 to index
      %get3A_340 = tpu.vector_load %arg4[%get3A_339] {strides = array<i32>} : memref<25088xf32, #tpu.memory_space<vmem>>, vector<16xf32>,
      %add3A_341 = arith.constant 8192 : i32
      %add3A_342 = arith.addi %add3A_341, %add3A_338 : i32
      %get3A_343 = arith.index_cast %add3A_342 : i32 to index
      %get3A_344 = tpu.vector_load %arg4[%get3A_343] {strides = array<i32>} : memref<25088xf32, #tpu.memory_space<vmem>>, vector<16xf32>,
      %add3A_345 = arith.constant 16384 : i32
      %add3A_346 = arith.addi %add3A_345, %add3A_338 : i32
      %get3A_347 = arith.index_cast %add3A_346 : i32 to index
      %get3A_348 = tpu.vector_load %arg4[%get3A_347] {strides = array<i32>} : memref<25088xf32, #tpu.memory_space<vmem>>, vector<16xf32>,
      %bitcast3A_349 = vector.bitcast %get3A_348 : vector<16xf32> to vector<16xi32>
      %shift_right_arithmetic3A_350 = arith.constant 8 : i32
      %shift_right_arithmetic3A_351 = vector.broadcast %shift_right_arithmetic3A_350 : i32 to vector<16xi32>
      %shift_right_arithmetic3A_352 = arith.shrsi %bitcast3A_349, %shift_right_arithmetic3A_351 : vector<16xi32>
      %convert_element_type3A_353 = arith.sitofp %shift_right_arithmetic3A_352 : vector<16xi32> to vector<16xf32>
      %and3A_354 = arith.constant 255 : i32
      %and3A_355 = vector.broadcast %and3A_354 : i32 to vector<16xi32>
      %and3A_356 = arith.andi %bitcast3A_349, %and3A_355 : vector<16xi32>
      %max3A_357 = arith.constant 1 : i32
      %max3A_358 = vector.broadcast %max3A_357 : i32 to vector<16xi32>
      %max3A_359 = arith.maxsi %and3A_356, %max3A_358 : vector<16xi32>
      %sub3A_360 = arith.constant 1 : i32
      %sub3A_361 = vector.broadcast %sub3A_360 : i32 to vector<16xi32>
      %sub3A_362 = arith.subi %max3A_359, %sub3A_361 : vector<16xi32>
      %mul3A_363 = arith.mulf %get3A_340, %convert_element_type3A_353 : vector<16xf32>
      %mul3A_364 = arith.mulf %get3A_344, %convert_element_type3A_353 : vector<16xf32>
      %sub3A_365 = arith.subf %get3A_340, %get3A_344 : vector<16xf32>
      %mul3A_366 = arith.mulf %sub3A_365, %sub3A_365 : vector<16xf32>
      %mul3A_367 = arith.mulf %mul3A_366, %convert_element_type3A_353 : vector<16xf32>
      %ne3A_368 = arith.constant 0 : i32
      %ne3A_369 = vector.broadcast %ne3A_368 : i32 to vector<16xi32>
      %ne3A_370 = arith.cmpi ne, %shift_right_arithmetic3A_352, %ne3A_369 : vector<16xi32>
      %all_reduce_population_count3A_371 = tpu.all_reduce %ne3A_370 {dim = 0 : i64, kind = #tpu.reduction_kind<sum>} : vector<16xi1> -> vector<16xi32>
      %convert_element_type3A_372 = arith.sitofp %all_reduce_population_count3A_371 : vector<16xi32> to vector<16xf32>
      %max3A_373 = arith.constant 1.000000e+00 : f32
      %max3A_374 = vector.broadcast %max3A_373 : f32 to vector<16xf32>
      %max3A_375 = arith.maximumf %convert_element_type3A_372, %max3A_374 : vector<16xf32>
      %div3A_376 = arith.divf %mul3A_367, %max3A_375 : vector<16xf32>
      %add3A_377 = arith.addf %add3A_307, %div3A_376 : vector<16xf32>
      tpu.vector_store_idx %arg5[%sub3A_362], %mul3A_363 {add = true} : memref<128xf32, #tpu.memory_space<vmem>>[vector<16xi32>], vector<16xf32>,
      tpu.vector_store_idx %arg6[%sub3A_362], %mul3A_364 {add = true} : memref<128xf32, #tpu.memory_space<vmem>>[vector<16xi32>], vector<16xf32>,
      %gather3A_378 = tpu.vector_load_idx %arg5[%sub3A_362] : memref<128xf32, #tpu.memory_space<vmem>>[vector<16xi32>], vector<16xf32>,
      %gather3A_379 = tpu.vector_load_idx %arg6[%sub3A_362] : memref<128xf32, #tpu.memory_space<vmem>>[vector<16xi32>], vector<16xf32>,
      tpu.vector_store_idx %arg5[%sub3A_362], %broadcast_in_dim3A_57 : memref<128xf32, #tpu.memory_space<vmem>>[vector<16xi32>], vector<16xf32>,
      tpu.vector_store_idx %arg6[%sub3A_362], %broadcast_in_dim3A_57 : memref<128xf32, #tpu.memory_space<vmem>>[vector<16xi32>], vector<16xf32>,
      %mul3A_380 = arith.mulf %mul3A_363, %gather3A_378 : vector<16xf32>
      %reduce_sum3A_381 = arith.constant true
      %reduce_sum3A_382 = vector.broadcast %reduce_sum3A_381 : i1 to vector<16xi1>
      %reduce_sum3A_383 = tpu.scan <sum>, %mul3A_380 masked %reduce_sum3A_382 : vector<16xf32>, vector<16xi1> -> vector<16xf32>
      %reduce_sum3A_384 = vector.extract %reduce_sum3A_383[15] : f32 from vector<16xf32>
      %mul3A_385 = arith.mulf %mul3A_364, %gather3A_379 : vector<16xf32>
      %reduce_sum3A_386 = arith.constant true
      %reduce_sum3A_387 = vector.broadcast %reduce_sum3A_386 : i1 to vector<16xi1>
      %reduce_sum3A_388 = tpu.scan <sum>, %mul3A_385 masked %reduce_sum3A_387 : vector<16xf32>, vector<16xi1> -> vector<16xf32>
      %reduce_sum3A_389 = vector.extract %reduce_sum3A_388[15] : f32 from vector<16xf32>
      %mul3A_390 = arith.mulf %mul3A_363, %gather3A_379 : vector<16xf32>
      %reduce_sum3A_391 = arith.constant true
      %reduce_sum3A_392 = vector.broadcast %reduce_sum3A_391 : i1 to vector<16xi1>
      %reduce_sum3A_393 = tpu.scan <sum>, %mul3A_390 masked %reduce_sum3A_392 : vector<16xf32>, vector<16xi1> -> vector<16xf32>
      %reduce_sum3A_394 = vector.extract %reduce_sum3A_393[15] : f32 from vector<16xf32>
      %eq3A_395 = arith.constant 3 : i32
      %eq3A_396 = vector.broadcast %eq3A_395 : i32 to vector<16xi32>
      %eq3A_397 = arith.cmpi eq, %iota3A, %eq3A_396 : vector<16xi32>
      %broadcast_in_dim3A_398 = vector.broadcast %reduce_sum3A_384 : f32 to vector<16xf32>
      %select_n3A_399 = arith.select %eq3A_397, %broadcast_in_dim3A_398, %select_n3A_329 : vector<16xi1>, vector<16xf32>
      %broadcast_in_dim3A_400 = vector.broadcast %reduce_sum3A_389 : f32 to vector<16xf32>
      %select_n3A_401 = arith.select %eq3A_397, %broadcast_in_dim3A_400, %select_n3A_331 : vector<16xi1>, vector<16xf32>
      %broadcast_in_dim3A_402 = vector.broadcast %reduce_sum3A_394 : f32 to vector<16xf32>
      %select_n3A_403 = arith.select %eq3A_397, %broadcast_in_dim3A_402, %select_n3A_333 : vector<16xi1>, vector<16xf32>
      %select_n3A_404 = arith.select %eq3A_397, %convert_element_type3A_372, %select_n3A_334 : vector<16xi1>, vector<16xf32>
      %mul3A_405 = arith.constant 256 : i32
      %mul3A_406 = arith.muli %scan3A_131, %mul3A_405 : i32
      %add3A_407 = arith.constant 64 : i32
      %add3A_408 = arith.addi %mul3A_406, %add3A_407 : i32
      %get3A_409 = arith.index_cast %add3A_408 : i32 to index
      %get3A_410 = tpu.vector_load %arg4[%get3A_409] {strides = array<i32>} : memref<25088xf32, #tpu.memory_space<vmem>>, vector<16xf32>,
      %add3A_411 = arith.constant 8192 : i32
      %add3A_412 = arith.addi %add3A_411, %add3A_408 : i32
      %get3A_413 = arith.index_cast %add3A_412 : i32 to index
      %get3A_414 = tpu.vector_load %arg4[%get3A_413] {strides = array<i32>} : memref<25088xf32, #tpu.memory_space<vmem>>, vector<16xf32>,
      %add3A_415 = arith.constant 16384 : i32
      %add3A_416 = arith.addi %add3A_415, %add3A_408 : i32
      %get3A_417 = arith.index_cast %add3A_416 : i32 to index
      %get3A_418 = tpu.vector_load %arg4[%get3A_417] {strides = array<i32>} : memref<25088xf32, #tpu.memory_space<vmem>>, vector<16xf32>,
      %bitcast3A_419 = vector.bitcast %get3A_418 : vector<16xf32> to vector<16xi32>
      %shift_right_arithmetic3A_420 = arith.constant 8 : i32
      %shift_right_arithmetic3A_421 = vector.broadcast %shift_right_arithmetic3A_420 : i32 to vector<16xi32>
      %shift_right_arithmetic3A_422 = arith.shrsi %bitcast3A_419, %shift_right_arithmetic3A_421 : vector<16xi32>
      %convert_element_type3A_423 = arith.sitofp %shift_right_arithmetic3A_422 : vector<16xi32> to vector<16xf32>
      %and3A_424 = arith.constant 255 : i32
      %and3A_425 = vector.broadcast %and3A_424 : i32 to vector<16xi32>
      %and3A_426 = arith.andi %bitcast3A_419, %and3A_425 : vector<16xi32>
      %max3A_427 = arith.constant 1 : i32
      %max3A_428 = vector.broadcast %max3A_427 : i32 to vector<16xi32>
      %max3A_429 = arith.maxsi %and3A_426, %max3A_428 : vector<16xi32>
      %sub3A_430 = arith.constant 1 : i32
      %sub3A_431 = vector.broadcast %sub3A_430 : i32 to vector<16xi32>
      %sub3A_432 = arith.subi %max3A_429, %sub3A_431 : vector<16xi32>
      %mul3A_433 = arith.mulf %get3A_410, %convert_element_type3A_423 : vector<16xf32>
      %mul3A_434 = arith.mulf %get3A_414, %convert_element_type3A_423 : vector<16xf32>
      %sub3A_435 = arith.subf %get3A_410, %get3A_414 : vector<16xf32>
      %mul3A_436 = arith.mulf %sub3A_435, %sub3A_435 : vector<16xf32>
      %mul3A_437 = arith.mulf %mul3A_436, %convert_element_type3A_423 : vector<16xf32>
      %ne3A_438 = arith.constant 0 : i32
      %ne3A_439 = vector.broadcast %ne3A_438 : i32 to vector<16xi32>
      %ne3A_440 = arith.cmpi ne, %shift_right_arithmetic3A_422, %ne3A_439 : vector<16xi32>
      %all_reduce_population_count3A_441 = tpu.all_reduce %ne3A_440 {dim = 0 : i64, kind = #tpu.reduction_kind<sum>} : vector<16xi1> -> vector<16xi32>
      %convert_element_type3A_442 = arith.sitofp %all_reduce_population_count3A_441 : vector<16xi32> to vector<16xf32>
      %max3A_443 = arith.constant 1.000000e+00 : f32
      %max3A_444 = vector.broadcast %max3A_443 : f32 to vector<16xf32>
      %max3A_445 = arith.maximumf %convert_element_type3A_442, %max3A_444 : vector<16xf32>
      %div3A_446 = arith.divf %mul3A_437, %max3A_445 : vector<16xf32>
      %add3A_447 = arith.addf %add3A_377, %div3A_446 : vector<16xf32>
      tpu.vector_store_idx %arg5[%sub3A_432], %mul3A_433 {add = true} : memref<128xf32, #tpu.memory_space<vmem>>[vector<16xi32>], vector<16xf32>,
      tpu.vector_store_idx %arg6[%sub3A_432], %mul3A_434 {add = true} : memref<128xf32, #tpu.memory_space<vmem>>[vector<16xi32>], vector<16xf32>,
      %gather3A_448 = tpu.vector_load_idx %arg5[%sub3A_432] : memref<128xf32, #tpu.memory_space<vmem>>[vector<16xi32>], vector<16xf32>,
      %gather3A_449 = tpu.vector_load_idx %arg6[%sub3A_432] : memref<128xf32, #tpu.memory_space<vmem>>[vector<16xi32>], vector<16xf32>,
      tpu.vector_store_idx %arg5[%sub3A_432], %broadcast_in_dim3A_57 : memref<128xf32, #tpu.memory_space<vmem>>[vector<16xi32>], vector<16xf32>,
      tpu.vector_store_idx %arg6[%sub3A_432], %broadcast_in_dim3A_57 : memref<128xf32, #tpu.memory_space<vmem>>[vector<16xi32>], vector<16xf32>,
      %mul3A_450 = arith.mulf %mul3A_433, %gather3A_448 : vector<16xf32>
      %reduce_sum3A_451 = arith.constant true
      %reduce_sum3A_452 = vector.broadcast %reduce_sum3A_451 : i1 to vector<16xi1>
      %reduce_sum3A_453 = tpu.scan <sum>, %mul3A_450 masked %reduce_sum3A_452 : vector<16xf32>, vector<16xi1> -> vector<16xf32>
      %reduce_sum3A_454 = vector.extract %reduce_sum3A_453[15] : f32 from vector<16xf32>
      %mul3A_455 = arith.mulf %mul3A_434, %gather3A_449 : vector<16xf32>
      %reduce_sum3A_456 = arith.constant true
      %reduce_sum3A_457 = vector.broadcast %reduce_sum3A_456 : i1 to vector<16xi1>
      %reduce_sum3A_458 = tpu.scan <sum>, %mul3A_455 masked %reduce_sum3A_457 : vector<16xf32>, vector<16xi1> -> vector<16xf32>
      %reduce_sum3A_459 = vector.extract %reduce_sum3A_458[15] : f32 from vector<16xf32>
      %mul3A_460 = arith.mulf %mul3A_433, %gather3A_449 : vector<16xf32>
      %reduce_sum3A_461 = arith.constant true
      %reduce_sum3A_462 = vector.broadcast %reduce_sum3A_461 : i1 to vector<16xi1>
      %reduce_sum3A_463 = tpu.scan <sum>, %mul3A_460 masked %reduce_sum3A_462 : vector<16xf32>, vector<16xi1> -> vector<16xf32>
      %reduce_sum3A_464 = vector.extract %reduce_sum3A_463[15] : f32 from vector<16xf32>
      %eq3A_465 = arith.constant 4 : i32
      %eq3A_466 = vector.broadcast %eq3A_465 : i32 to vector<16xi32>
      %eq3A_467 = arith.cmpi eq, %iota3A, %eq3A_466 : vector<16xi32>
      %broadcast_in_dim3A_468 = vector.broadcast %reduce_sum3A_454 : f32 to vector<16xf32>
      %select_n3A_469 = arith.select %eq3A_467, %broadcast_in_dim3A_468, %select_n3A_399 : vector<16xi1>, vector<16xf32>
      %broadcast_in_dim3A_470 = vector.broadcast %reduce_sum3A_459 : f32 to vector<16xf32>
      %select_n3A_471 = arith.select %eq3A_467, %broadcast_in_dim3A_470, %select_n3A_401 : vector<16xi1>, vector<16xf32>
      %broadcast_in_dim3A_472 = vector.broadcast %reduce_sum3A_464 : f32 to vector<16xf32>
      %select_n3A_473 = arith.select %eq3A_467, %broadcast_in_dim3A_472, %select_n3A_403 : vector<16xi1>, vector<16xf32>
      %select_n3A_474 = arith.select %eq3A_467, %convert_element_type3A_442, %select_n3A_404 : vector<16xi1>, vector<16xf32>
      %mul3A_475 = arith.constant 256 : i32
      %mul3A_476 = arith.muli %scan3A_131, %mul3A_475 : i32
      %add3A_477 = arith.constant 80 : i32
      %add3A_478 = arith.addi %mul3A_476, %add3A_477 : i32
      %get3A_479 = arith.index_cast %add3A_478 : i32 to index
      %get3A_480 = tpu.vector_load %arg4[%get3A_479] {strides = array<i32>} : memref<25088xf32, #tpu.memory_space<vmem>>, vector<16xf32>,
      %add3A_481 = arith.constant 8192 : i32
      %add3A_482 = arith.addi %add3A_481, %add3A_478 : i32
      %get3A_483 = arith.index_cast %add3A_482 : i32 to index
      %get3A_484 = tpu.vector_load %arg4[%get3A_483] {strides = array<i32>} : memref<25088xf32, #tpu.memory_space<vmem>>, vector<16xf32>,
      %add3A_485 = arith.constant 16384 : i32
      %add3A_486 = arith.addi %add3A_485, %add3A_478 : i32
      %get3A_487 = arith.index_cast %add3A_486 : i32 to index
      %get3A_488 = tpu.vector_load %arg4[%get3A_487] {strides = array<i32>} : memref<25088xf32, #tpu.memory_space<vmem>>, vector<16xf32>,
      %bitcast3A_489 = vector.bitcast %get3A_488 : vector<16xf32> to vector<16xi32>
      %shift_right_arithmetic3A_490 = arith.constant 8 : i32
      %shift_right_arithmetic3A_491 = vector.broadcast %shift_right_arithmetic3A_490 : i32 to vector<16xi32>
      %shift_right_arithmetic3A_492 = arith.shrsi %bitcast3A_489, %shift_right_arithmetic3A_491 : vector<16xi32>
      %convert_element_type3A_493 = arith.sitofp %shift_right_arithmetic3A_492 : vector<16xi32> to vector<16xf32>
      %and3A_494 = arith.constant 255 : i32
      %and3A_495 = vector.broadcast %and3A_494 : i32 to vector<16xi32>
      %and3A_496 = arith.andi %bitcast3A_489, %and3A_495 : vector<16xi32>
      %max3A_497 = arith.constant 1 : i32
      %max3A_498 = vector.broadcast %max3A_497 : i32 to vector<16xi32>
      %max3A_499 = arith.maxsi %and3A_496, %max3A_498 : vector<16xi32>
      %sub3A_500 = arith.constant 1 : i32
      %sub3A_501 = vector.broadcast %sub3A_500 : i32 to vector<16xi32>
      %sub3A_502 = arith.subi %max3A_499, %sub3A_501 : vector<16xi32>
      %mul3A_503 = arith.mulf %get3A_480, %convert_element_type3A_493 : vector<16xf32>
      %mul3A_504 = arith.mulf %get3A_484, %convert_element_type3A_493 : vector<16xf32>
      %sub3A_505 = arith.subf %get3A_480, %get3A_484 : vector<16xf32>
      %mul3A_506 = arith.mulf %sub3A_505, %sub3A_505 : vector<16xf32>
      %mul3A_507 = arith.mulf %mul3A_506, %convert_element_type3A_493 : vector<16xf32>
      %ne3A_508 = arith.constant 0 : i32
      %ne3A_509 = vector.broadcast %ne3A_508 : i32 to vector<16xi32>
      %ne3A_510 = arith.cmpi ne, %shift_right_arithmetic3A_492, %ne3A_509 : vector<16xi32>
      %all_reduce_population_count3A_511 = tpu.all_reduce %ne3A_510 {dim = 0 : i64, kind = #tpu.reduction_kind<sum>} : vector<16xi1> -> vector<16xi32>
      %convert_element_type3A_512 = arith.sitofp %all_reduce_population_count3A_511 : vector<16xi32> to vector<16xf32>
      %max3A_513 = arith.constant 1.000000e+00 : f32
      %max3A_514 = vector.broadcast %max3A_513 : f32 to vector<16xf32>
      %max3A_515 = arith.maximumf %convert_element_type3A_512, %max3A_514 : vector<16xf32>
      %div3A_516 = arith.divf %mul3A_507, %max3A_515 : vector<16xf32>
      %add3A_517 = arith.addf %add3A_447, %div3A_516 : vector<16xf32>
      tpu.vector_store_idx %arg5[%sub3A_502], %mul3A_503 {add = true} : memref<128xf32, #tpu.memory_space<vmem>>[vector<16xi32>], vector<16xf32>,
      tpu.vector_store_idx %arg6[%sub3A_502], %mul3A_504 {add = true} : memref<128xf32, #tpu.memory_space<vmem>>[vector<16xi32>], vector<16xf32>,
      %gather3A_518 = tpu.vector_load_idx %arg5[%sub3A_502] : memref<128xf32, #tpu.memory_space<vmem>>[vector<16xi32>], vector<16xf32>,
      %gather3A_519 = tpu.vector_load_idx %arg6[%sub3A_502] : memref<128xf32, #tpu.memory_space<vmem>>[vector<16xi32>], vector<16xf32>,
      tpu.vector_store_idx %arg5[%sub3A_502], %broadcast_in_dim3A_57 : memref<128xf32, #tpu.memory_space<vmem>>[vector<16xi32>], vector<16xf32>,
      tpu.vector_store_idx %arg6[%sub3A_502], %broadcast_in_dim3A_57 : memref<128xf32, #tpu.memory_space<vmem>>[vector<16xi32>], vector<16xf32>,
      %mul3A_520 = arith.mulf %mul3A_503, %gather3A_518 : vector<16xf32>
      %reduce_sum3A_521 = arith.constant true
      %reduce_sum3A_522 = vector.broadcast %reduce_sum3A_521 : i1 to vector<16xi1>
      %reduce_sum3A_523 = tpu.scan <sum>, %mul3A_520 masked %reduce_sum3A_522 : vector<16xf32>, vector<16xi1> -> vector<16xf32>
      %reduce_sum3A_524 = vector.extract %reduce_sum3A_523[15] : f32 from vector<16xf32>
      %mul3A_525 = arith.mulf %mul3A_504, %gather3A_519 : vector<16xf32>
      %reduce_sum3A_526 = arith.constant true
      %reduce_sum3A_527 = vector.broadcast %reduce_sum3A_526 : i1 to vector<16xi1>
      %reduce_sum3A_528 = tpu.scan <sum>, %mul3A_525 masked %reduce_sum3A_527 : vector<16xf32>, vector<16xi1> -> vector<16xf32>
      %reduce_sum3A_529 = vector.extract %reduce_sum3A_528[15] : f32 from vector<16xf32>
      %mul3A_530 = arith.mulf %mul3A_503, %gather3A_519 : vector<16xf32>
      %reduce_sum3A_531 = arith.constant true
      %reduce_sum3A_532 = vector.broadcast %reduce_sum3A_531 : i1 to vector<16xi1>
      %reduce_sum3A_533 = tpu.scan <sum>, %mul3A_530 masked %reduce_sum3A_532 : vector<16xf32>, vector<16xi1> -> vector<16xf32>
      %reduce_sum3A_534 = vector.extract %reduce_sum3A_533[15] : f32 from vector<16xf32>
      %eq3A_535 = arith.constant 5 : i32
      %eq3A_536 = vector.broadcast %eq3A_535 : i32 to vector<16xi32>
      %eq3A_537 = arith.cmpi eq, %iota3A, %eq3A_536 : vector<16xi32>
      %broadcast_in_dim3A_538 = vector.broadcast %reduce_sum3A_524 : f32 to vector<16xf32>
      %select_n3A_539 = arith.select %eq3A_537, %broadcast_in_dim3A_538, %select_n3A_469 : vector<16xi1>, vector<16xf32>
      %broadcast_in_dim3A_540 = vector.broadcast %reduce_sum3A_529 : f32 to vector<16xf32>
      %select_n3A_541 = arith.select %eq3A_537, %broadcast_in_dim3A_540, %select_n3A_471 : vector<16xi1>, vector<16xf32>
      %broadcast_in_dim3A_542 = vector.broadcast %reduce_sum3A_534 : f32 to vector<16xf32>
      %select_n3A_543 = arith.select %eq3A_537, %broadcast_in_dim3A_542, %select_n3A_473 : vector<16xi1>, vector<16xf32>
      %select_n3A_544 = arith.select %eq3A_537, %convert_element_type3A_512, %select_n3A_474 : vector<16xi1>, vector<16xf32>
      %mul3A_545 = arith.constant 256 : i32
      %mul3A_546 = arith.muli %scan3A_131, %mul3A_545 : i32
      %add3A_547 = arith.constant 96 : i32
      %add3A_548 = arith.addi %mul3A_546, %add3A_547 : i32
      %get3A_549 = arith.index_cast %add3A_548 : i32 to index
      %get3A_550 = tpu.vector_load %arg4[%get3A_549] {strides = array<i32>} : memref<25088xf32, #tpu.memory_space<vmem>>, vector<16xf32>,
      %add3A_551 = arith.constant 8192 : i32
      %add3A_552 = arith.addi %add3A_551, %add3A_548 : i32
      %get3A_553 = arith.index_cast %add3A_552 : i32 to index
      %get3A_554 = tpu.vector_load %arg4[%get3A_553] {strides = array<i32>} : memref<25088xf32, #tpu.memory_space<vmem>>, vector<16xf32>,
      %add3A_555 = arith.constant 16384 : i32
      %add3A_556 = arith.addi %add3A_555, %add3A_548 : i32
      %get3A_557 = arith.index_cast %add3A_556 : i32 to index
      %get3A_558 = tpu.vector_load %arg4[%get3A_557] {strides = array<i32>} : memref<25088xf32, #tpu.memory_space<vmem>>, vector<16xf32>,
      %bitcast3A_559 = vector.bitcast %get3A_558 : vector<16xf32> to vector<16xi32>
      %shift_right_arithmetic3A_560 = arith.constant 8 : i32
      %shift_right_arithmetic3A_561 = vector.broadcast %shift_right_arithmetic3A_560 : i32 to vector<16xi32>
      %shift_right_arithmetic3A_562 = arith.shrsi %bitcast3A_559, %shift_right_arithmetic3A_561 : vector<16xi32>
      %convert_element_type3A_563 = arith.sitofp %shift_right_arithmetic3A_562 : vector<16xi32> to vector<16xf32>
      %and3A_564 = arith.constant 255 : i32
      %and3A_565 = vector.broadcast %and3A_564 : i32 to vector<16xi32>
      %and3A_566 = arith.andi %bitcast3A_559, %and3A_565 : vector<16xi32>
      %max3A_567 = arith.constant 1 : i32
      %max3A_568 = vector.broadcast %max3A_567 : i32 to vector<16xi32>
      %max3A_569 = arith.maxsi %and3A_566, %max3A_568 : vector<16xi32>
      %sub3A_570 = arith.constant 1 : i32
      %sub3A_571 = vector.broadcast %sub3A_570 : i32 to vector<16xi32>
      %sub3A_572 = arith.subi %max3A_569, %sub3A_571 : vector<16xi32>
      %mul3A_573 = arith.mulf %get3A_550, %convert_element_type3A_563 : vector<16xf32>
      %mul3A_574 = arith.mulf %get3A_554, %convert_element_type3A_563 : vector<16xf32>
      %sub3A_575 = arith.subf %get3A_550, %get3A_554 : vector<16xf32>
      %mul3A_576 = arith.mulf %sub3A_575, %sub3A_575 : vector<16xf32>
      %mul3A_577 = arith.mulf %mul3A_576, %convert_element_type3A_563 : vector<16xf32>
      %ne3A_578 = arith.constant 0 : i32
      %ne3A_579 = vector.broadcast %ne3A_578 : i32 to vector<16xi32>
      %ne3A_580 = arith.cmpi ne, %shift_right_arithmetic3A_562, %ne3A_579 : vector<16xi32>
      %all_reduce_population_count3A_581 = tpu.all_reduce %ne3A_580 {dim = 0 : i64, kind = #tpu.reduction_kind<sum>} : vector<16xi1> -> vector<16xi32>
      %convert_element_type3A_582 = arith.sitofp %all_reduce_population_count3A_581 : vector<16xi32> to vector<16xf32>
      %max3A_583 = arith.constant 1.000000e+00 : f32
      %max3A_584 = vector.broadcast %max3A_583 : f32 to vector<16xf32>
      %max3A_585 = arith.maximumf %convert_element_type3A_582, %max3A_584 : vector<16xf32>
      %div3A_586 = arith.divf %mul3A_577, %max3A_585 : vector<16xf32>
      %add3A_587 = arith.addf %add3A_517, %div3A_586 : vector<16xf32>
      tpu.vector_store_idx %arg5[%sub3A_572], %mul3A_573 {add = true} : memref<128xf32, #tpu.memory_space<vmem>>[vector<16xi32>], vector<16xf32>,
      tpu.vector_store_idx %arg6[%sub3A_572], %mul3A_574 {add = true} : memref<128xf32, #tpu.memory_space<vmem>>[vector<16xi32>], vector<16xf32>,
      %gather3A_588 = tpu.vector_load_idx %arg5[%sub3A_572] : memref<128xf32, #tpu.memory_space<vmem>>[vector<16xi32>], vector<16xf32>,
      %gather3A_589 = tpu.vector_load_idx %arg6[%sub3A_572] : memref<128xf32, #tpu.memory_space<vmem>>[vector<16xi32>], vector<16xf32>,
      tpu.vector_store_idx %arg5[%sub3A_572], %broadcast_in_dim3A_57 : memref<128xf32, #tpu.memory_space<vmem>>[vector<16xi32>], vector<16xf32>,
      tpu.vector_store_idx %arg6[%sub3A_572], %broadcast_in_dim3A_57 : memref<128xf32, #tpu.memory_space<vmem>>[vector<16xi32>], vector<16xf32>,
      %mul3A_590 = arith.mulf %mul3A_573, %gather3A_588 : vector<16xf32>
      %reduce_sum3A_591 = arith.constant true
      %reduce_sum3A_592 = vector.broadcast %reduce_sum3A_591 : i1 to vector<16xi1>
      %reduce_sum3A_593 = tpu.scan <sum>, %mul3A_590 masked %reduce_sum3A_592 : vector<16xf32>, vector<16xi1> -> vector<16xf32>
      %reduce_sum3A_594 = vector.extract %reduce_sum3A_593[15] : f32 from vector<16xf32>
      %mul3A_595 = arith.mulf %mul3A_574, %gather3A_589 : vector<16xf32>
      %reduce_sum3A_596 = arith.constant true
      %reduce_sum3A_597 = vector.broadcast %reduce_sum3A_596 : i1 to vector<16xi1>
      %reduce_sum3A_598 = tpu.scan <sum>, %mul3A_595 masked %reduce_sum3A_597 : vector<16xf32>, vector<16xi1> -> vector<16xf32>
      %reduce_sum3A_599 = vector.extract %reduce_sum3A_598[15] : f32 from vector<16xf32>
      %mul3A_600 = arith.mulf %mul3A_573, %gather3A_589 : vector<16xf32>
      %reduce_sum3A_601 = arith.constant true
      %reduce_sum3A_602 = vector.broadcast %reduce_sum3A_601 : i1 to vector<16xi1>
      %reduce_sum3A_603 = tpu.scan <sum>, %mul3A_600 masked %reduce_sum3A_602 : vector<16xf32>, vector<16xi1> -> vector<16xf32>
      %reduce_sum3A_604 = vector.extract %reduce_sum3A_603[15] : f32 from vector<16xf32>
      %eq3A_605 = arith.constant 6 : i32
      %eq3A_606 = vector.broadcast %eq3A_605 : i32 to vector<16xi32>
      %eq3A_607 = arith.cmpi eq, %iota3A, %eq3A_606 : vector<16xi32>
      %broadcast_in_dim3A_608 = vector.broadcast %reduce_sum3A_594 : f32 to vector<16xf32>
      %select_n3A_609 = arith.select %eq3A_607, %broadcast_in_dim3A_608, %select_n3A_539 : vector<16xi1>, vector<16xf32>
      %broadcast_in_dim3A_610 = vector.broadcast %reduce_sum3A_599 : f32 to vector<16xf32>
      %select_n3A_611 = arith.select %eq3A_607, %broadcast_in_dim3A_610, %select_n3A_541 : vector<16xi1>, vector<16xf32>
      %broadcast_in_dim3A_612 = vector.broadcast %reduce_sum3A_604 : f32 to vector<16xf32>
      %select_n3A_613 = arith.select %eq3A_607, %broadcast_in_dim3A_612, %select_n3A_543 : vector<16xi1>, vector<16xf32>
      %select_n3A_614 = arith.select %eq3A_607, %convert_element_type3A_582, %select_n3A_544 : vector<16xi1>, vector<16xf32>
      %mul3A_615 = arith.constant 256 : i32
      %mul3A_616 = arith.muli %scan3A_131, %mul3A_615 : i32
      %add3A_617 = arith.constant 112 : i32
      %add3A_618 = arith.addi %mul3A_616, %add3A_617 : i32
      %get3A_619 = arith.index_cast %add3A_618 : i32 to index
      %get3A_620 = tpu.vector_load %arg4[%get3A_619] {strides = array<i32>} : memref<25088xf32, #tpu.memory_space<vmem>>, vector<16xf32>,
      %add3A_621 = arith.constant 8192 : i32
      %add3A_622 = arith.addi %add3A_621, %add3A_618 : i32
      %get3A_623 = arith.index_cast %add3A_622 : i32 to index
      %get3A_624 = tpu.vector_load %arg4[%get3A_623] {strides = array<i32>} : memref<25088xf32, #tpu.memory_space<vmem>>, vector<16xf32>,
      %add3A_625 = arith.constant 16384 : i32
      %add3A_626 = arith.addi %add3A_625, %add3A_618 : i32
      %get3A_627 = arith.index_cast %add3A_626 : i32 to index
      %get3A_628 = tpu.vector_load %arg4[%get3A_627] {strides = array<i32>} : memref<25088xf32, #tpu.memory_space<vmem>>, vector<16xf32>,
      %bitcast3A_629 = vector.bitcast %get3A_628 : vector<16xf32> to vector<16xi32>
      %shift_right_arithmetic3A_630 = arith.constant 8 : i32
      %shift_right_arithmetic3A_631 = vector.broadcast %shift_right_arithmetic3A_630 : i32 to vector<16xi32>
      %shift_right_arithmetic3A_632 = arith.shrsi %bitcast3A_629, %shift_right_arithmetic3A_631 : vector<16xi32>
      %convert_element_type3A_633 = arith.sitofp %shift_right_arithmetic3A_632 : vector<16xi32> to vector<16xf32>
      %and3A_634 = arith.constant 255 : i32
      %and3A_635 = vector.broadcast %and3A_634 : i32 to vector<16xi32>
      %and3A_636 = arith.andi %bitcast3A_629, %and3A_635 : vector<16xi32>
      %max3A_637 = arith.constant 1 : i32
      %max3A_638 = vector.broadcast %max3A_637 : i32 to vector<16xi32>
      %max3A_639 = arith.maxsi %and3A_636, %max3A_638 : vector<16xi32>
      %sub3A_640 = arith.constant 1 : i32
      %sub3A_641 = vector.broadcast %sub3A_640 : i32 to vector<16xi32>
      %sub3A_642 = arith.subi %max3A_639, %sub3A_641 : vector<16xi32>
      %mul3A_643 = arith.mulf %get3A_620, %convert_element_type3A_633 : vector<16xf32>
      %mul3A_644 = arith.mulf %get3A_624, %convert_element_type3A_633 : vector<16xf32>
      %sub3A_645 = arith.subf %get3A_620, %get3A_624 : vector<16xf32>
      %mul3A_646 = arith.mulf %sub3A_645, %sub3A_645 : vector<16xf32>
      %mul3A_647 = arith.mulf %mul3A_646, %convert_element_type3A_633 : vector<16xf32>
      %ne3A_648 = arith.constant 0 : i32
      %ne3A_649 = vector.broadcast %ne3A_648 : i32 to vector<16xi32>
      %ne3A_650 = arith.cmpi ne, %shift_right_arithmetic3A_632, %ne3A_649 : vector<16xi32>
      %all_reduce_population_count3A_651 = tpu.all_reduce %ne3A_650 {dim = 0 : i64, kind = #tpu.reduction_kind<sum>} : vector<16xi1> -> vector<16xi32>
      %convert_element_type3A_652 = arith.sitofp %all_reduce_population_count3A_651 : vector<16xi32> to vector<16xf32>
      %max3A_653 = arith.constant 1.000000e+00 : f32
      %max3A_654 = vector.broadcast %max3A_653 : f32 to vector<16xf32>
      %max3A_655 = arith.maximumf %convert_element_type3A_652, %max3A_654 : vector<16xf32>
      %div3A_656 = arith.divf %mul3A_647, %max3A_655 : vector<16xf32>
      %add3A_657 = arith.addf %add3A_587, %div3A_656 : vector<16xf32>
      tpu.vector_store_idx %arg5[%sub3A_642], %mul3A_643 {add = true} : memref<128xf32, #tpu.memory_space<vmem>>[vector<16xi32>], vector<16xf32>,
      tpu.vector_store_idx %arg6[%sub3A_642], %mul3A_644 {add = true} : memref<128xf32, #tpu.memory_space<vmem>>[vector<16xi32>], vector<16xf32>,
      %gather3A_658 = tpu.vector_load_idx %arg5[%sub3A_642] : memref<128xf32, #tpu.memory_space<vmem>>[vector<16xi32>], vector<16xf32>,
      %gather3A_659 = tpu.vector_load_idx %arg6[%sub3A_642] : memref<128xf32, #tpu.memory_space<vmem>>[vector<16xi32>], vector<16xf32>,
      tpu.vector_store_idx %arg5[%sub3A_642], %broadcast_in_dim3A_57 : memref<128xf32, #tpu.memory_space<vmem>>[vector<16xi32>], vector<16xf32>,
      tpu.vector_store_idx %arg6[%sub3A_642], %broadcast_in_dim3A_57 : memref<128xf32, #tpu.memory_space<vmem>>[vector<16xi32>], vector<16xf32>,
      %mul3A_660 = arith.mulf %mul3A_643, %gather3A_658 : vector<16xf32>
      %reduce_sum3A_661 = arith.constant true
      %reduce_sum3A_662 = vector.broadcast %reduce_sum3A_661 : i1 to vector<16xi1>
      %reduce_sum3A_663 = tpu.scan <sum>, %mul3A_660 masked %reduce_sum3A_662 : vector<16xf32>, vector<16xi1> -> vector<16xf32>
      %reduce_sum3A_664 = vector.extract %reduce_sum3A_663[15] : f32 from vector<16xf32>
      %mul3A_665 = arith.mulf %mul3A_644, %gather3A_659 : vector<16xf32>
      %reduce_sum3A_666 = arith.constant true
      %reduce_sum3A_667 = vector.broadcast %reduce_sum3A_666 : i1 to vector<16xi1>
      %reduce_sum3A_668 = tpu.scan <sum>, %mul3A_665 masked %reduce_sum3A_667 : vector<16xf32>, vector<16xi1> -> vector<16xf32>
      %reduce_sum3A_669 = vector.extract %reduce_sum3A_668[15] : f32 from vector<16xf32>
      %mul3A_670 = arith.mulf %mul3A_643, %gather3A_659 : vector<16xf32>
      %reduce_sum3A_671 = arith.constant true
      %reduce_sum3A_672 = vector.broadcast %reduce_sum3A_671 : i1 to vector<16xi1>
      %reduce_sum3A_673 = tpu.scan <sum>, %mul3A_670 masked %reduce_sum3A_672 : vector<16xf32>, vector<16xi1> -> vector<16xf32>
      %reduce_sum3A_674 = vector.extract %reduce_sum3A_673[15] : f32 from vector<16xf32>
      %eq3A_675 = arith.constant 7 : i32
      %eq3A_676 = vector.broadcast %eq3A_675 : i32 to vector<16xi32>
      %eq3A_677 = arith.cmpi eq, %iota3A, %eq3A_676 : vector<16xi32>
      %broadcast_in_dim3A_678 = vector.broadcast %reduce_sum3A_664 : f32 to vector<16xf32>
      %select_n3A_679 = arith.select %eq3A_677, %broadcast_in_dim3A_678, %select_n3A_609 : vector<16xi1>, vector<16xf32>
      %broadcast_in_dim3A_680 = vector.broadcast %reduce_sum3A_669 : f32 to vector<16xf32>
      %select_n3A_681 = arith.select %eq3A_677, %broadcast_in_dim3A_680, %select_n3A_611 : vector<16xi1>, vector<16xf32>
      %broadcast_in_dim3A_682 = vector.broadcast %reduce_sum3A_674 : f32 to vector<16xf32>
      %select_n3A_683 = arith.select %eq3A_677, %broadcast_in_dim3A_682, %select_n3A_613 : vector<16xi1>, vector<16xf32>
      %select_n3A_684 = arith.select %eq3A_677, %convert_element_type3A_652, %select_n3A_614 : vector<16xi1>, vector<16xf32>
      %mul3A_685 = arith.constant 256 : i32
      %mul3A_686 = arith.muli %scan3A_131, %mul3A_685 : i32
      %add3A_687 = arith.constant 128 : i32
      %add3A_688 = arith.addi %mul3A_686, %add3A_687 : i32
      %get3A_689 = arith.index_cast %add3A_688 : i32 to index
      %get3A_690 = tpu.vector_load %arg4[%get3A_689] {strides = array<i32>} : memref<25088xf32, #tpu.memory_space<vmem>>, vector<16xf32>,
      %add3A_691 = arith.constant 8192 : i32
      %add3A_692 = arith.addi %add3A_691, %add3A_688 : i32
      %get3A_693 = arith.index_cast %add3A_692 : i32 to index
      %get3A_694 = tpu.vector_load %arg4[%get3A_693] {strides = array<i32>} : memref<25088xf32, #tpu.memory_space<vmem>>, vector<16xf32>,
      %add3A_695 = arith.constant 16384 : i32
      %add3A_696 = arith.addi %add3A_695, %add3A_688 : i32
      %get3A_697 = arith.index_cast %add3A_696 : i32 to index
      %get3A_698 = tpu.vector_load %arg4[%get3A_697] {strides = array<i32>} : memref<25088xf32, #tpu.memory_space<vmem>>, vector<16xf32>,
      %bitcast3A_699 = vector.bitcast %get3A_698 : vector<16xf32> to vector<16xi32>
      %shift_right_arithmetic3A_700 = arith.constant 8 : i32
      %shift_right_arithmetic3A_701 = vector.broadcast %shift_right_arithmetic3A_700 : i32 to vector<16xi32>
      %shift_right_arithmetic3A_702 = arith.shrsi %bitcast3A_699, %shift_right_arithmetic3A_701 : vector<16xi32>
      %convert_element_type3A_703 = arith.sitofp %shift_right_arithmetic3A_702 : vector<16xi32> to vector<16xf32>
      %and3A_704 = arith.constant 255 : i32
      %and3A_705 = vector.broadcast %and3A_704 : i32 to vector<16xi32>
      %and3A_706 = arith.andi %bitcast3A_699, %and3A_705 : vector<16xi32>
      %max3A_707 = arith.constant 1 : i32
      %max3A_708 = vector.broadcast %max3A_707 : i32 to vector<16xi32>
      %max3A_709 = arith.maxsi %and3A_706, %max3A_708 : vector<16xi32>
      %sub3A_710 = arith.constant 1 : i32
      %sub3A_711 = vector.broadcast %sub3A_710 : i32 to vector<16xi32>
      %sub3A_712 = arith.subi %max3A_709, %sub3A_711 : vector<16xi32>
      %mul3A_713 = arith.mulf %get3A_690, %convert_element_type3A_703 : vector<16xf32>
      %mul3A_714 = arith.mulf %get3A_694, %convert_element_type3A_703 : vector<16xf32>
      %sub3A_715 = arith.subf %get3A_690, %get3A_694 : vector<16xf32>
      %mul3A_716 = arith.mulf %sub3A_715, %sub3A_715 : vector<16xf32>
      %mul3A_717 = arith.mulf %mul3A_716, %convert_element_type3A_703 : vector<16xf32>
      %ne3A_718 = arith.constant 0 : i32
      %ne3A_719 = vector.broadcast %ne3A_718 : i32 to vector<16xi32>
      %ne3A_720 = arith.cmpi ne, %shift_right_arithmetic3A_702, %ne3A_719 : vector<16xi32>
      %all_reduce_population_count3A_721 = tpu.all_reduce %ne3A_720 {dim = 0 : i64, kind = #tpu.reduction_kind<sum>} : vector<16xi1> -> vector<16xi32>
      %convert_element_type3A_722 = arith.sitofp %all_reduce_population_count3A_721 : vector<16xi32> to vector<16xf32>
      %max3A_723 = arith.constant 1.000000e+00 : f32
      %max3A_724 = vector.broadcast %max3A_723 : f32 to vector<16xf32>
      %max3A_725 = arith.maximumf %convert_element_type3A_722, %max3A_724 : vector<16xf32>
      %div3A_726 = arith.divf %mul3A_717, %max3A_725 : vector<16xf32>
      %add3A_727 = arith.addf %add3A_657, %div3A_726 : vector<16xf32>
      tpu.vector_store_idx %arg5[%sub3A_712], %mul3A_713 {add = true} : memref<128xf32, #tpu.memory_space<vmem>>[vector<16xi32>], vector<16xf32>,
      tpu.vector_store_idx %arg6[%sub3A_712], %mul3A_714 {add = true} : memref<128xf32, #tpu.memory_space<vmem>>[vector<16xi32>], vector<16xf32>,
      %gather3A_728 = tpu.vector_load_idx %arg5[%sub3A_712] : memref<128xf32, #tpu.memory_space<vmem>>[vector<16xi32>], vector<16xf32>,
      %gather3A_729 = tpu.vector_load_idx %arg6[%sub3A_712] : memref<128xf32, #tpu.memory_space<vmem>>[vector<16xi32>], vector<16xf32>,
      tpu.vector_store_idx %arg5[%sub3A_712], %broadcast_in_dim3A_57 : memref<128xf32, #tpu.memory_space<vmem>>[vector<16xi32>], vector<16xf32>,
      tpu.vector_store_idx %arg6[%sub3A_712], %broadcast_in_dim3A_57 : memref<128xf32, #tpu.memory_space<vmem>>[vector<16xi32>], vector<16xf32>,
      %mul3A_730 = arith.mulf %mul3A_713, %gather3A_728 : vector<16xf32>
      %reduce_sum3A_731 = arith.constant true
      %reduce_sum3A_732 = vector.broadcast %reduce_sum3A_731 : i1 to vector<16xi1>
      %reduce_sum3A_733 = tpu.scan <sum>, %mul3A_730 masked %reduce_sum3A_732 : vector<16xf32>, vector<16xi1> -> vector<16xf32>
      %reduce_sum3A_734 = vector.extract %reduce_sum3A_733[15] : f32 from vector<16xf32>
      %mul3A_735 = arith.mulf %mul3A_714, %gather3A_729 : vector<16xf32>
      %reduce_sum3A_736 = arith.constant true
      %reduce_sum3A_737 = vector.broadcast %reduce_sum3A_736 : i1 to vector<16xi1>
      %reduce_sum3A_738 = tpu.scan <sum>, %mul3A_735 masked %reduce_sum3A_737 : vector<16xf32>, vector<16xi1> -> vector<16xf32>
      %reduce_sum3A_739 = vector.extract %reduce_sum3A_738[15] : f32 from vector<16xf32>
      %mul3A_740 = arith.mulf %mul3A_713, %gather3A_729 : vector<16xf32>
      %reduce_sum3A_741 = arith.constant true
      %reduce_sum3A_742 = vector.broadcast %reduce_sum3A_741 : i1 to vector<16xi1>
      %reduce_sum3A_743 = tpu.scan <sum>, %mul3A_740 masked %reduce_sum3A_742 : vector<16xf32>, vector<16xi1> -> vector<16xf32>
      %reduce_sum3A_744 = vector.extract %reduce_sum3A_743[15] : f32 from vector<16xf32>
      %eq3A_745 = arith.constant 8 : i32
      %eq3A_746 = vector.broadcast %eq3A_745 : i32 to vector<16xi32>
      %eq3A_747 = arith.cmpi eq, %iota3A, %eq3A_746 : vector<16xi32>
      %broadcast_in_dim3A_748 = vector.broadcast %reduce_sum3A_734 : f32 to vector<16xf32>
      %select_n3A_749 = arith.select %eq3A_747, %broadcast_in_dim3A_748, %select_n3A_679 : vector<16xi1>, vector<16xf32>
      %broadcast_in_dim3A_750 = vector.broadcast %reduce_sum3A_739 : f32 to vector<16xf32>
      %select_n3A_751 = arith.select %eq3A_747, %broadcast_in_dim3A_750, %select_n3A_681 : vector<16xi1>, vector<16xf32>
      %broadcast_in_dim3A_752 = vector.broadcast %reduce_sum3A_744 : f32 to vector<16xf32>
      %select_n3A_753 = arith.select %eq3A_747, %broadcast_in_dim3A_752, %select_n3A_683 : vector<16xi1>, vector<16xf32>
      %select_n3A_754 = arith.select %eq3A_747, %convert_element_type3A_722, %select_n3A_684 : vector<16xi1>, vector<16xf32>
      %mul3A_755 = arith.constant 256 : i32
      %mul3A_756 = arith.muli %scan3A_131, %mul3A_755 : i32
      %add3A_757 = arith.constant 144 : i32
      %add3A_758 = arith.addi %mul3A_756, %add3A_757 : i32
      %get3A_759 = arith.index_cast %add3A_758 : i32 to index
      %get3A_760 = tpu.vector_load %arg4[%get3A_759] {strides = array<i32>} : memref<25088xf32, #tpu.memory_space<vmem>>, vector<16xf32>,
      %add3A_761 = arith.constant 8192 : i32
      %add3A_762 = arith.addi %add3A_761, %add3A_758 : i32
      %get3A_763 = arith.index_cast %add3A_762 : i32 to index
      %get3A_764 = tpu.vector_load %arg4[%get3A_763] {strides = array<i32>} : memref<25088xf32, #tpu.memory_space<vmem>>, vector<16xf32>,
      %add3A_765 = arith.constant 16384 : i32
      %add3A_766 = arith.addi %add3A_765, %add3A_758 : i32
      %get3A_767 = arith.index_cast %add3A_766 : i32 to index
      %get3A_768 = tpu.vector_load %arg4[%get3A_767] {strides = array<i32>} : memref<25088xf32, #tpu.memory_space<vmem>>, vector<16xf32>,
      %bitcast3A_769 = vector.bitcast %get3A_768 : vector<16xf32> to vector<16xi32>
      %shift_right_arithmetic3A_770 = arith.constant 8 : i32
      %shift_right_arithmetic3A_771 = vector.broadcast %shift_right_arithmetic3A_770 : i32 to vector<16xi32>
      %shift_right_arithmetic3A_772 = arith.shrsi %bitcast3A_769, %shift_right_arithmetic3A_771 : vector<16xi32>
      %convert_element_type3A_773 = arith.sitofp %shift_right_arithmetic3A_772 : vector<16xi32> to vector<16xf32>
      %and3A_774 = arith.constant 255 : i32
      %and3A_775 = vector.broadcast %and3A_774 : i32 to vector<16xi32>
      %and3A_776 = arith.andi %bitcast3A_769, %and3A_775 : vector<16xi32>
      %max3A_777 = arith.constant 1 : i32
      %max3A_778 = vector.broadcast %max3A_777 : i32 to vector<16xi32>
      %max3A_779 = arith.maxsi %and3A_776, %max3A_778 : vector<16xi32>
      %sub3A_780 = arith.constant 1 : i32
      %sub3A_781 = vector.broadcast %sub3A_780 : i32 to vector<16xi32>
      %sub3A_782 = arith.subi %max3A_779, %sub3A_781 : vector<16xi32>
      %mul3A_783 = arith.mulf %get3A_760, %convert_element_type3A_773 : vector<16xf32>
      %mul3A_784 = arith.mulf %get3A_764, %convert_element_type3A_773 : vector<16xf32>
      %sub3A_785 = arith.subf %get3A_760, %get3A_764 : vector<16xf32>
      %mul3A_786 = arith.mulf %sub3A_785, %sub3A_785 : vector<16xf32>
      %mul3A_787 = arith.mulf %mul3A_786, %convert_element_type3A_773 : vector<16xf32>
      %ne3A_788 = arith.constant 0 : i32
      %ne3A_789 = vector.broadcast %ne3A_788 : i32 to vector<16xi32>
      %ne3A_790 = arith.cmpi ne, %shift_right_arithmetic3A_772, %ne3A_789 : vector<16xi32>
      %all_reduce_population_count3A_791 = tpu.all_reduce %ne3A_790 {dim = 0 : i64, kind = #tpu.reduction_kind<sum>} : vector<16xi1> -> vector<16xi32>
      %convert_element_type3A_792 = arith.sitofp %all_reduce_population_count3A_791 : vector<16xi32> to vector<16xf32>
      %max3A_793 = arith.constant 1.000000e+00 : f32
      %max3A_794 = vector.broadcast %max3A_793 : f32 to vector<16xf32>
      %max3A_795 = arith.maximumf %convert_element_type3A_792, %max3A_794 : vector<16xf32>
      %div3A_796 = arith.divf %mul3A_787, %max3A_795 : vector<16xf32>
      %add3A_797 = arith.addf %add3A_727, %div3A_796 : vector<16xf32>
      tpu.vector_store_idx %arg5[%sub3A_782], %mul3A_783 {add = true} : memref<128xf32, #tpu.memory_space<vmem>>[vector<16xi32>], vector<16xf32>,
      tpu.vector_store_idx %arg6[%sub3A_782], %mul3A_784 {add = true} : memref<128xf32, #tpu.memory_space<vmem>>[vector<16xi32>], vector<16xf32>,
      %gather3A_798 = tpu.vector_load_idx %arg5[%sub3A_782] : memref<128xf32, #tpu.memory_space<vmem>>[vector<16xi32>], vector<16xf32>,
      %gather3A_799 = tpu.vector_load_idx %arg6[%sub3A_782] : memref<128xf32, #tpu.memory_space<vmem>>[vector<16xi32>], vector<16xf32>,
      tpu.vector_store_idx %arg5[%sub3A_782], %broadcast_in_dim3A_57 : memref<128xf32, #tpu.memory_space<vmem>>[vector<16xi32>], vector<16xf32>,
      tpu.vector_store_idx %arg6[%sub3A_782], %broadcast_in_dim3A_57 : memref<128xf32, #tpu.memory_space<vmem>>[vector<16xi32>], vector<16xf32>,
      %mul3A_800 = arith.mulf %mul3A_783, %gather3A_798 : vector<16xf32>
      %reduce_sum3A_801 = arith.constant true
      %reduce_sum3A_802 = vector.broadcast %reduce_sum3A_801 : i1 to vector<16xi1>
      %reduce_sum3A_803 = tpu.scan <sum>, %mul3A_800 masked %reduce_sum3A_802 : vector<16xf32>, vector<16xi1> -> vector<16xf32>
      %reduce_sum3A_804 = vector.extract %reduce_sum3A_803[15] : f32 from vector<16xf32>
      %mul3A_805 = arith.mulf %mul3A_784, %gather3A_799 : vector<16xf32>
      %reduce_sum3A_806 = arith.constant true
      %reduce_sum3A_807 = vector.broadcast %reduce_sum3A_806 : i1 to vector<16xi1>
      %reduce_sum3A_808 = tpu.scan <sum>, %mul3A_805 masked %reduce_sum3A_807 : vector<16xf32>, vector<16xi1> -> vector<16xf32>
      %reduce_sum3A_809 = vector.extract %reduce_sum3A_808[15] : f32 from vector<16xf32>
      %mul3A_810 = arith.mulf %mul3A_783, %gather3A_799 : vector<16xf32>
      %reduce_sum3A_811 = arith.constant true
      %reduce_sum3A_812 = vector.broadcast %reduce_sum3A_811 : i1 to vector<16xi1>
      %reduce_sum3A_813 = tpu.scan <sum>, %mul3A_810 masked %reduce_sum3A_812 : vector<16xf32>, vector<16xi1> -> vector<16xf32>
      %reduce_sum3A_814 = vector.extract %reduce_sum3A_813[15] : f32 from vector<16xf32>
      %eq3A_815 = arith.constant 9 : i32
      %eq3A_816 = vector.broadcast %eq3A_815 : i32 to vector<16xi32>
      %eq3A_817 = arith.cmpi eq, %iota3A, %eq3A_816 : vector<16xi32>
      %broadcast_in_dim3A_818 = vector.broadcast %reduce_sum3A_804 : f32 to vector<16xf32>
      %select_n3A_819 = arith.select %eq3A_817, %broadcast_in_dim3A_818, %select_n3A_749 : vector<16xi1>, vector<16xf32>
      %broadcast_in_dim3A_820 = vector.broadcast %reduce_sum3A_809 : f32 to vector<16xf32>
      %select_n3A_821 = arith.select %eq3A_817, %broadcast_in_dim3A_820, %select_n3A_751 : vector<16xi1>, vector<16xf32>
      %broadcast_in_dim3A_822 = vector.broadcast %reduce_sum3A_814 : f32 to vector<16xf32>
      %select_n3A_823 = arith.select %eq3A_817, %broadcast_in_dim3A_822, %select_n3A_753 : vector<16xi1>, vector<16xf32>
      %select_n3A_824 = arith.select %eq3A_817, %convert_element_type3A_792, %select_n3A_754 : vector<16xi1>, vector<16xf32>
      %mul3A_825 = arith.constant 256 : i32
      %mul3A_826 = arith.muli %scan3A_131, %mul3A_825 : i32
      %add3A_827 = arith.constant 160 : i32
      %add3A_828 = arith.addi %mul3A_826, %add3A_827 : i32
      %get3A_829 = arith.index_cast %add3A_828 : i32 to index
      %get3A_830 = tpu.vector_load %arg4[%get3A_829] {strides = array<i32>} : memref<25088xf32, #tpu.memory_space<vmem>>, vector<16xf32>,
      %add3A_831 = arith.constant 8192 : i32
      %add3A_832 = arith.addi %add3A_831, %add3A_828 : i32
      %get3A_833 = arith.index_cast %add3A_832 : i32 to index
      %get3A_834 = tpu.vector_load %arg4[%get3A_833] {strides = array<i32>} : memref<25088xf32, #tpu.memory_space<vmem>>, vector<16xf32>,
      %add3A_835 = arith.constant 16384 : i32
      %add3A_836 = arith.addi %add3A_835, %add3A_828 : i32
      %get3A_837 = arith.index_cast %add3A_836 : i32 to index
      %get3A_838 = tpu.vector_load %arg4[%get3A_837] {strides = array<i32>} : memref<25088xf32, #tpu.memory_space<vmem>>, vector<16xf32>,
      %bitcast3A_839 = vector.bitcast %get3A_838 : vector<16xf32> to vector<16xi32>
      %shift_right_arithmetic3A_840 = arith.constant 8 : i32
      %shift_right_arithmetic3A_841 = vector.broadcast %shift_right_arithmetic3A_840 : i32 to vector<16xi32>
      %shift_right_arithmetic3A_842 = arith.shrsi %bitcast3A_839, %shift_right_arithmetic3A_841 : vector<16xi32>
      %convert_element_type3A_843 = arith.sitofp %shift_right_arithmetic3A_842 : vector<16xi32> to vector<16xf32>
      %and3A_844 = arith.constant 255 : i32
      %and3A_845 = vector.broadcast %and3A_844 : i32 to vector<16xi32>
      %and3A_846 = arith.andi %bitcast3A_839, %and3A_845 : vector<16xi32>
      %max3A_847 = arith.constant 1 : i32
      %max3A_848 = vector.broadcast %max3A_847 : i32 to vector<16xi32>
      %max3A_849 = arith.maxsi %and3A_846, %max3A_848 : vector<16xi32>
      %sub3A_850 = arith.constant 1 : i32
      %sub3A_851 = vector.broadcast %sub3A_850 : i32 to vector<16xi32>
      %sub3A_852 = arith.subi %max3A_849, %sub3A_851 : vector<16xi32>
      %mul3A_853 = arith.mulf %get3A_830, %convert_element_type3A_843 : vector<16xf32>
      %mul3A_854 = arith.mulf %get3A_834, %convert_element_type3A_843 : vector<16xf32>
      %sub3A_855 = arith.subf %get3A_830, %get3A_834 : vector<16xf32>
      %mul3A_856 = arith.mulf %sub3A_855, %sub3A_855 : vector<16xf32>
      %mul3A_857 = arith.mulf %mul3A_856, %convert_element_type3A_843 : vector<16xf32>
      %ne3A_858 = arith.constant 0 : i32
      %ne3A_859 = vector.broadcast %ne3A_858 : i32 to vector<16xi32>
      %ne3A_860 = arith.cmpi ne, %shift_right_arithmetic3A_842, %ne3A_859 : vector<16xi32>
      %all_reduce_population_count3A_861 = tpu.all_reduce %ne3A_860 {dim = 0 : i64, kind = #tpu.reduction_kind<sum>} : vector<16xi1> -> vector<16xi32>
      %convert_element_type3A_862 = arith.sitofp %all_reduce_population_count3A_861 : vector<16xi32> to vector<16xf32>
      %max3A_863 = arith.constant 1.000000e+00 : f32
      %max3A_864 = vector.broadcast %max3A_863 : f32 to vector<16xf32>
      %max3A_865 = arith.maximumf %convert_element_type3A_862, %max3A_864 : vector<16xf32>
      %div3A_866 = arith.divf %mul3A_857, %max3A_865 : vector<16xf32>
      %add3A_867 = arith.addf %add3A_797, %div3A_866 : vector<16xf32>
      tpu.vector_store_idx %arg5[%sub3A_852], %mul3A_853 {add = true} : memref<128xf32, #tpu.memory_space<vmem>>[vector<16xi32>], vector<16xf32>,
      tpu.vector_store_idx %arg6[%sub3A_852], %mul3A_854 {add = true} : memref<128xf32, #tpu.memory_space<vmem>>[vector<16xi32>], vector<16xf32>,
      %gather3A_868 = tpu.vector_load_idx %arg5[%sub3A_852] : memref<128xf32, #tpu.memory_space<vmem>>[vector<16xi32>], vector<16xf32>,
      %gather3A_869 = tpu.vector_load_idx %arg6[%sub3A_852] : memref<128xf32, #tpu.memory_space<vmem>>[vector<16xi32>], vector<16xf32>,
      tpu.vector_store_idx %arg5[%sub3A_852], %broadcast_in_dim3A_57 : memref<128xf32, #tpu.memory_space<vmem>>[vector<16xi32>], vector<16xf32>,
      tpu.vector_store_idx %arg6[%sub3A_852], %broadcast_in_dim3A_57 : memref<128xf32, #tpu.memory_space<vmem>>[vector<16xi32>], vector<16xf32>,
      %mul3A_870 = arith.mulf %mul3A_853, %gather3A_868 : vector<16xf32>
      %reduce_sum3A_871 = arith.constant true
      %reduce_sum3A_872 = vector.broadcast %reduce_sum3A_871 : i1 to vector<16xi1>
      %reduce_sum3A_873 = tpu.scan <sum>, %mul3A_870 masked %reduce_sum3A_872 : vector<16xf32>, vector<16xi1> -> vector<16xf32>
      %reduce_sum3A_874 = vector.extract %reduce_sum3A_873[15] : f32 from vector<16xf32>
      %mul3A_875 = arith.mulf %mul3A_854, %gather3A_869 : vector<16xf32>
      %reduce_sum3A_876 = arith.constant true
      %reduce_sum3A_877 = vector.broadcast %reduce_sum3A_876 : i1 to vector<16xi1>
      %reduce_sum3A_878 = tpu.scan <sum>, %mul3A_875 masked %reduce_sum3A_877 : vector<16xf32>, vector<16xi1> -> vector<16xf32>
      %reduce_sum3A_879 = vector.extract %reduce_sum3A_878[15] : f32 from vector<16xf32>
      %mul3A_880 = arith.mulf %mul3A_853, %gather3A_869 : vector<16xf32>
      %reduce_sum3A_881 = arith.constant true
      %reduce_sum3A_882 = vector.broadcast %reduce_sum3A_881 : i1 to vector<16xi1>
      %reduce_sum3A_883 = tpu.scan <sum>, %mul3A_880 masked %reduce_sum3A_882 : vector<16xf32>, vector<16xi1> -> vector<16xf32>
      %reduce_sum3A_884 = vector.extract %reduce_sum3A_883[15] : f32 from vector<16xf32>
      %eq3A_885 = arith.constant 10 : i32
      %eq3A_886 = vector.broadcast %eq3A_885 : i32 to vector<16xi32>
      %eq3A_887 = arith.cmpi eq, %iota3A, %eq3A_886 : vector<16xi32>
      %broadcast_in_dim3A_888 = vector.broadcast %reduce_sum3A_874 : f32 to vector<16xf32>
      %select_n3A_889 = arith.select %eq3A_887, %broadcast_in_dim3A_888, %select_n3A_819 : vector<16xi1>, vector<16xf32>
      %broadcast_in_dim3A_890 = vector.broadcast %reduce_sum3A_879 : f32 to vector<16xf32>
      %select_n3A_891 = arith.select %eq3A_887, %broadcast_in_dim3A_890, %select_n3A_821 : vector<16xi1>, vector<16xf32>
      %broadcast_in_dim3A_892 = vector.broadcast %reduce_sum3A_884 : f32 to vector<16xf32>
      %select_n3A_893 = arith.select %eq3A_887, %broadcast_in_dim3A_892, %select_n3A_823 : vector<16xi1>, vector<16xf32>
      %select_n3A_894 = arith.select %eq3A_887, %convert_element_type3A_862, %select_n3A_824 : vector<16xi1>, vector<16xf32>
      %mul3A_895 = arith.constant 256 : i32
      %mul3A_896 = arith.muli %scan3A_131, %mul3A_895 : i32
      %add3A_897 = arith.constant 176 : i32
      %add3A_898 = arith.addi %mul3A_896, %add3A_897 : i32
      %get3A_899 = arith.index_cast %add3A_898 : i32 to index
      %get3A_900 = tpu.vector_load %arg4[%get3A_899] {strides = array<i32>} : memref<25088xf32, #tpu.memory_space<vmem>>, vector<16xf32>,
      %add3A_901 = arith.constant 8192 : i32
      %add3A_902 = arith.addi %add3A_901, %add3A_898 : i32
      %get3A_903 = arith.index_cast %add3A_902 : i32 to index
      %get3A_904 = tpu.vector_load %arg4[%get3A_903] {strides = array<i32>} : memref<25088xf32, #tpu.memory_space<vmem>>, vector<16xf32>,
      %add3A_905 = arith.constant 16384 : i32
      %add3A_906 = arith.addi %add3A_905, %add3A_898 : i32
      %get3A_907 = arith.index_cast %add3A_906 : i32 to index
      %get3A_908 = tpu.vector_load %arg4[%get3A_907] {strides = array<i32>} : memref<25088xf32, #tpu.memory_space<vmem>>, vector<16xf32>,
      %bitcast3A_909 = vector.bitcast %get3A_908 : vector<16xf32> to vector<16xi32>
      %shift_right_arithmetic3A_910 = arith.constant 8 : i32
      %shift_right_arithmetic3A_911 = vector.broadcast %shift_right_arithmetic3A_910 : i32 to vector<16xi32>
      %shift_right_arithmetic3A_912 = arith.shrsi %bitcast3A_909, %shift_right_arithmetic3A_911 : vector<16xi32>
      %convert_element_type3A_913 = arith.sitofp %shift_right_arithmetic3A_912 : vector<16xi32> to vector<16xf32>
      %and3A_914 = arith.constant 255 : i32
      %and3A_915 = vector.broadcast %and3A_914 : i32 to vector<16xi32>
      %and3A_916 = arith.andi %bitcast3A_909, %and3A_915 : vector<16xi32>
      %max3A_917 = arith.constant 1 : i32
      %max3A_918 = vector.broadcast %max3A_917 : i32 to vector<16xi32>
      %max3A_919 = arith.maxsi %and3A_916, %max3A_918 : vector<16xi32>
      %sub3A_920 = arith.constant 1 : i32
      %sub3A_921 = vector.broadcast %sub3A_920 : i32 to vector<16xi32>
      %sub3A_922 = arith.subi %max3A_919, %sub3A_921 : vector<16xi32>
      %mul3A_923 = arith.mulf %get3A_900, %convert_element_type3A_913 : vector<16xf32>
      %mul3A_924 = arith.mulf %get3A_904, %convert_element_type3A_913 : vector<16xf32>
      %sub3A_925 = arith.subf %get3A_900, %get3A_904 : vector<16xf32>
      %mul3A_926 = arith.mulf %sub3A_925, %sub3A_925 : vector<16xf32>
      %mul3A_927 = arith.mulf %mul3A_926, %convert_element_type3A_913 : vector<16xf32>
      %ne3A_928 = arith.constant 0 : i32
      %ne3A_929 = vector.broadcast %ne3A_928 : i32 to vector<16xi32>
      %ne3A_930 = arith.cmpi ne, %shift_right_arithmetic3A_912, %ne3A_929 : vector<16xi32>
      %all_reduce_population_count3A_931 = tpu.all_reduce %ne3A_930 {dim = 0 : i64, kind = #tpu.reduction_kind<sum>} : vector<16xi1> -> vector<16xi32>
      %convert_element_type3A_932 = arith.sitofp %all_reduce_population_count3A_931 : vector<16xi32> to vector<16xf32>
      %max3A_933 = arith.constant 1.000000e+00 : f32
      %max3A_934 = vector.broadcast %max3A_933 : f32 to vector<16xf32>
      %max3A_935 = arith.maximumf %convert_element_type3A_932, %max3A_934 : vector<16xf32>
      %div3A_936 = arith.divf %mul3A_927, %max3A_935 : vector<16xf32>
      %add3A_937 = arith.addf %add3A_867, %div3A_936 : vector<16xf32>
      tpu.vector_store_idx %arg5[%sub3A_922], %mul3A_923 {add = true} : memref<128xf32, #tpu.memory_space<vmem>>[vector<16xi32>], vector<16xf32>,
      tpu.vector_store_idx %arg6[%sub3A_922], %mul3A_924 {add = true} : memref<128xf32, #tpu.memory_space<vmem>>[vector<16xi32>], vector<16xf32>,
      %gather3A_938 = tpu.vector_load_idx %arg5[%sub3A_922] : memref<128xf32, #tpu.memory_space<vmem>>[vector<16xi32>], vector<16xf32>,
      %gather3A_939 = tpu.vector_load_idx %arg6[%sub3A_922] : memref<128xf32, #tpu.memory_space<vmem>>[vector<16xi32>], vector<16xf32>,
      tpu.vector_store_idx %arg5[%sub3A_922], %broadcast_in_dim3A_57 : memref<128xf32, #tpu.memory_space<vmem>>[vector<16xi32>], vector<16xf32>,
      tpu.vector_store_idx %arg6[%sub3A_922], %broadcast_in_dim3A_57 : memref<128xf32, #tpu.memory_space<vmem>>[vector<16xi32>], vector<16xf32>,
      %mul3A_940 = arith.mulf %mul3A_923, %gather3A_938 : vector<16xf32>
      %reduce_sum3A_941 = arith.constant true
      %reduce_sum3A_942 = vector.broadcast %reduce_sum3A_941 : i1 to vector<16xi1>
      %reduce_sum3A_943 = tpu.scan <sum>, %mul3A_940 masked %reduce_sum3A_942 : vector<16xf32>, vector<16xi1> -> vector<16xf32>
      %reduce_sum3A_944 = vector.extract %reduce_sum3A_943[15] : f32 from vector<16xf32>
      %mul3A_945 = arith.mulf %mul3A_924, %gather3A_939 : vector<16xf32>
      %reduce_sum3A_946 = arith.constant true
      %reduce_sum3A_947 = vector.broadcast %reduce_sum3A_946 : i1 to vector<16xi1>
      %reduce_sum3A_948 = tpu.scan <sum>, %mul3A_945 masked %reduce_sum3A_947 : vector<16xf32>, vector<16xi1> -> vector<16xf32>
      %reduce_sum3A_949 = vector.extract %reduce_sum3A_948[15] : f32 from vector<16xf32>
      %mul3A_950 = arith.mulf %mul3A_923, %gather3A_939 : vector<16xf32>
      %reduce_sum3A_951 = arith.constant true
      %reduce_sum3A_952 = vector.broadcast %reduce_sum3A_951 : i1 to vector<16xi1>
      %reduce_sum3A_953 = tpu.scan <sum>, %mul3A_950 masked %reduce_sum3A_952 : vector<16xf32>, vector<16xi1> -> vector<16xf32>
      %reduce_sum3A_954 = vector.extract %reduce_sum3A_953[15] : f32 from vector<16xf32>
      %eq3A_955 = arith.constant 11 : i32
      %eq3A_956 = vector.broadcast %eq3A_955 : i32 to vector<16xi32>
      %eq3A_957 = arith.cmpi eq, %iota3A, %eq3A_956 : vector<16xi32>
      %broadcast_in_dim3A_958 = vector.broadcast %reduce_sum3A_944 : f32 to vector<16xf32>
      %select_n3A_959 = arith.select %eq3A_957, %broadcast_in_dim3A_958, %select_n3A_889 : vector<16xi1>, vector<16xf32>
      %broadcast_in_dim3A_960 = vector.broadcast %reduce_sum3A_949 : f32 to vector<16xf32>
      %select_n3A_961 = arith.select %eq3A_957, %broadcast_in_dim3A_960, %select_n3A_891 : vector<16xi1>, vector<16xf32>
      %broadcast_in_dim3A_962 = vector.broadcast %reduce_sum3A_954 : f32 to vector<16xf32>
      %select_n3A_963 = arith.select %eq3A_957, %broadcast_in_dim3A_962, %select_n3A_893 : vector<16xi1>, vector<16xf32>
      %select_n3A_964 = arith.select %eq3A_957, %convert_element_type3A_932, %select_n3A_894 : vector<16xi1>, vector<16xf32>
      %mul3A_965 = arith.constant 256 : i32
      %mul3A_966 = arith.muli %scan3A_131, %mul3A_965 : i32
      %add3A_967 = arith.constant 192 : i32
      %add3A_968 = arith.addi %mul3A_966, %add3A_967 : i32
      %get3A_969 = arith.index_cast %add3A_968 : i32 to index
      %get3A_970 = tpu.vector_load %arg4[%get3A_969] {strides = array<i32>} : memref<25088xf32, #tpu.memory_space<vmem>>, vector<16xf32>,
      %add3A_971 = arith.constant 8192 : i32
      %add3A_972 = arith.addi %add3A_971, %add3A_968 : i32
      %get3A_973 = arith.index_cast %add3A_972 : i32 to index
      %get3A_974 = tpu.vector_load %arg4[%get3A_973] {strides = array<i32>} : memref<25088xf32, #tpu.memory_space<vmem>>, vector<16xf32>,
      %add3A_975 = arith.constant 16384 : i32
      %add3A_976 = arith.addi %add3A_975, %add3A_968 : i32
      %get3A_977 = arith.index_cast %add3A_976 : i32 to index
      %get3A_978 = tpu.vector_load %arg4[%get3A_977] {strides = array<i32>} : memref<25088xf32, #tpu.memory_space<vmem>>, vector<16xf32>,
      %bitcast3A_979 = vector.bitcast %get3A_978 : vector<16xf32> to vector<16xi32>
      %shift_right_arithmetic3A_980 = arith.constant 8 : i32
      %shift_right_arithmetic3A_981 = vector.broadcast %shift_right_arithmetic3A_980 : i32 to vector<16xi32>
      %shift_right_arithmetic3A_982 = arith.shrsi %bitcast3A_979, %shift_right_arithmetic3A_981 : vector<16xi32>
      %convert_element_type3A_983 = arith.sitofp %shift_right_arithmetic3A_982 : vector<16xi32> to vector<16xf32>
      %and3A_984 = arith.constant 255 : i32
      %and3A_985 = vector.broadcast %and3A_984 : i32 to vector<16xi32>
      %and3A_986 = arith.andi %bitcast3A_979, %and3A_985 : vector<16xi32>
      %max3A_987 = arith.constant 1 : i32
      %max3A_988 = vector.broadcast %max3A_987 : i32 to vector<16xi32>
      %max3A_989 = arith.maxsi %and3A_986, %max3A_988 : vector<16xi32>
      %sub3A_990 = arith.constant 1 : i32
      %sub3A_991 = vector.broadcast %sub3A_990 : i32 to vector<16xi32>
      %sub3A_992 = arith.subi %max3A_989, %sub3A_991 : vector<16xi32>
      %mul3A_993 = arith.mulf %get3A_970, %convert_element_type3A_983 : vector<16xf32>
      %mul3A_994 = arith.mulf %get3A_974, %convert_element_type3A_983 : vector<16xf32>
      %sub3A_995 = arith.subf %get3A_970, %get3A_974 : vector<16xf32>
      %mul3A_996 = arith.mulf %sub3A_995, %sub3A_995 : vector<16xf32>
      %mul3A_997 = arith.mulf %mul3A_996, %convert_element_type3A_983 : vector<16xf32>
      %ne3A_998 = arith.constant 0 : i32
      %ne3A_999 = vector.broadcast %ne3A_998 : i32 to vector<16xi32>
      %ne3A_1000 = arith.cmpi ne, %shift_right_arithmetic3A_982, %ne3A_999 : vector<16xi32>
      %all_reduce_population_count3A_1001 = tpu.all_reduce %ne3A_1000 {dim = 0 : i64, kind = #tpu.reduction_kind<sum>} : vector<16xi1> -> vector<16xi32>
      %convert_element_type3A_1002 = arith.sitofp %all_reduce_population_count3A_1001 : vector<16xi32> to vector<16xf32>
      %max3A_1003 = arith.constant 1.000000e+00 : f32
      %max3A_1004 = vector.broadcast %max3A_1003 : f32 to vector<16xf32>
      %max3A_1005 = arith.maximumf %convert_element_type3A_1002, %max3A_1004 : vector<16xf32>
      %div3A_1006 = arith.divf %mul3A_997, %max3A_1005 : vector<16xf32>
      %add3A_1007 = arith.addf %add3A_937, %div3A_1006 : vector<16xf32>
      tpu.vector_store_idx %arg5[%sub3A_992], %mul3A_993 {add = true} : memref<128xf32, #tpu.memory_space<vmem>>[vector<16xi32>], vector<16xf32>,
      tpu.vector_store_idx %arg6[%sub3A_992], %mul3A_994 {add = true} : memref<128xf32, #tpu.memory_space<vmem>>[vector<16xi32>], vector<16xf32>,
      %gather3A_1008 = tpu.vector_load_idx %arg5[%sub3A_992] : memref<128xf32, #tpu.memory_space<vmem>>[vector<16xi32>], vector<16xf32>,
      %gather3A_1009 = tpu.vector_load_idx %arg6[%sub3A_992] : memref<128xf32, #tpu.memory_space<vmem>>[vector<16xi32>], vector<16xf32>,
      tpu.vector_store_idx %arg5[%sub3A_992], %broadcast_in_dim3A_57 : memref<128xf32, #tpu.memory_space<vmem>>[vector<16xi32>], vector<16xf32>,
      tpu.vector_store_idx %arg6[%sub3A_992], %broadcast_in_dim3A_57 : memref<128xf32, #tpu.memory_space<vmem>>[vector<16xi32>], vector<16xf32>,
      %mul3A_1010 = arith.mulf %mul3A_993, %gather3A_1008 : vector<16xf32>
      %reduce_sum3A_1011 = arith.constant true
      %reduce_sum3A_1012 = vector.broadcast %reduce_sum3A_1011 : i1 to vector<16xi1>
      %reduce_sum3A_1013 = tpu.scan <sum>, %mul3A_1010 masked %reduce_sum3A_1012 : vector<16xf32>, vector<16xi1> -> vector<16xf32>
      %reduce_sum3A_1014 = vector.extract %reduce_sum3A_1013[15] : f32 from vector<16xf32>
      %mul3A_1015 = arith.mulf %mul3A_994, %gather3A_1009 : vector<16xf32>
      %reduce_sum3A_1016 = arith.constant true
      %reduce_sum3A_1017 = vector.broadcast %reduce_sum3A_1016 : i1 to vector<16xi1>
      %reduce_sum3A_1018 = tpu.scan <sum>, %mul3A_1015 masked %reduce_sum3A_1017 : vector<16xf32>, vector<16xi1> -> vector<16xf32>
      %reduce_sum3A_1019 = vector.extract %reduce_sum3A_1018[15] : f32 from vector<16xf32>
      %mul3A_1020 = arith.mulf %mul3A_993, %gather3A_1009 : vector<16xf32>
      %reduce_sum3A_1021 = arith.constant true
      %reduce_sum3A_1022 = vector.broadcast %reduce_sum3A_1021 : i1 to vector<16xi1>
      %reduce_sum3A_1023 = tpu.scan <sum>, %mul3A_1020 masked %reduce_sum3A_1022 : vector<16xf32>, vector<16xi1> -> vector<16xf32>
      %reduce_sum3A_1024 = vector.extract %reduce_sum3A_1023[15] : f32 from vector<16xf32>
      %eq3A_1025 = arith.constant 12 : i32
      %eq3A_1026 = vector.broadcast %eq3A_1025 : i32 to vector<16xi32>
      %eq3A_1027 = arith.cmpi eq, %iota3A, %eq3A_1026 : vector<16xi32>
      %broadcast_in_dim3A_1028 = vector.broadcast %reduce_sum3A_1014 : f32 to vector<16xf32>
      %select_n3A_1029 = arith.select %eq3A_1027, %broadcast_in_dim3A_1028, %select_n3A_959 : vector<16xi1>, vector<16xf32>
      %broadcast_in_dim3A_1030 = vector.broadcast %reduce_sum3A_1019 : f32 to vector<16xf32>
      %select_n3A_1031 = arith.select %eq3A_1027, %broadcast_in_dim3A_1030, %select_n3A_961 : vector<16xi1>, vector<16xf32>
      %broadcast_in_dim3A_1032 = vector.broadcast %reduce_sum3A_1024 : f32 to vector<16xf32>
      %select_n3A_1033 = arith.select %eq3A_1027, %broadcast_in_dim3A_1032, %select_n3A_963 : vector<16xi1>, vector<16xf32>
      %select_n3A_1034 = arith.select %eq3A_1027, %convert_element_type3A_1002, %select_n3A_964 : vector<16xi1>, vector<16xf32>
      %mul3A_1035 = arith.constant 256 : i32
      %mul3A_1036 = arith.muli %scan3A_131, %mul3A_1035 : i32
      %add3A_1037 = arith.constant 208 : i32
      %add3A_1038 = arith.addi %mul3A_1036, %add3A_1037 : i32
      %get3A_1039 = arith.index_cast %add3A_1038 : i32 to index
      %get3A_1040 = tpu.vector_load %arg4[%get3A_1039] {strides = array<i32>} : memref<25088xf32, #tpu.memory_space<vmem>>, vector<16xf32>,
      %add3A_1041 = arith.constant 8192 : i32
      %add3A_1042 = arith.addi %add3A_1041, %add3A_1038 : i32
      %get3A_1043 = arith.index_cast %add3A_1042 : i32 to index
      %get3A_1044 = tpu.vector_load %arg4[%get3A_1043] {strides = array<i32>} : memref<25088xf32, #tpu.memory_space<vmem>>, vector<16xf32>,
      %add3A_1045 = arith.constant 16384 : i32
      %add3A_1046 = arith.addi %add3A_1045, %add3A_1038 : i32
      %get3A_1047 = arith.index_cast %add3A_1046 : i32 to index
      %get3A_1048 = tpu.vector_load %arg4[%get3A_1047] {strides = array<i32>} : memref<25088xf32, #tpu.memory_space<vmem>>, vector<16xf32>,
      %bitcast3A_1049 = vector.bitcast %get3A_1048 : vector<16xf32> to vector<16xi32>
      %shift_right_arithmetic3A_1050 = arith.constant 8 : i32
      %shift_right_arithmetic3A_1051 = vector.broadcast %shift_right_arithmetic3A_1050 : i32 to vector<16xi32>
      %shift_right_arithmetic3A_1052 = arith.shrsi %bitcast3A_1049, %shift_right_arithmetic3A_1051 : vector<16xi32>
      %convert_element_type3A_1053 = arith.sitofp %shift_right_arithmetic3A_1052 : vector<16xi32> to vector<16xf32>
      %and3A_1054 = arith.constant 255 : i32
      %and3A_1055 = vector.broadcast %and3A_1054 : i32 to vector<16xi32>
      %and3A_1056 = arith.andi %bitcast3A_1049, %and3A_1055 : vector<16xi32>
      %max3A_1057 = arith.constant 1 : i32
      %max3A_1058 = vector.broadcast %max3A_1057 : i32 to vector<16xi32>
      %max3A_1059 = arith.maxsi %and3A_1056, %max3A_1058 : vector<16xi32>
      %sub3A_1060 = arith.constant 1 : i32
      %sub3A_1061 = vector.broadcast %sub3A_1060 : i32 to vector<16xi32>
      %sub3A_1062 = arith.subi %max3A_1059, %sub3A_1061 : vector<16xi32>
      %mul3A_1063 = arith.mulf %get3A_1040, %convert_element_type3A_1053 : vector<16xf32>
      %mul3A_1064 = arith.mulf %get3A_1044, %convert_element_type3A_1053 : vector<16xf32>
      %sub3A_1065 = arith.subf %get3A_1040, %get3A_1044 : vector<16xf32>
      %mul3A_1066 = arith.mulf %sub3A_1065, %sub3A_1065 : vector<16xf32>
      %mul3A_1067 = arith.mulf %mul3A_1066, %convert_element_type3A_1053 : vector<16xf32>
      %ne3A_1068 = arith.constant 0 : i32
      %ne3A_1069 = vector.broadcast %ne3A_1068 : i32 to vector<16xi32>
      %ne3A_1070 = arith.cmpi ne, %shift_right_arithmetic3A_1052, %ne3A_1069 : vector<16xi32>
      %all_reduce_population_count3A_1071 = tpu.all_reduce %ne3A_1070 {dim = 0 : i64, kind = #tpu.reduction_kind<sum>} : vector<16xi1> -> vector<16xi32>
      %convert_element_type3A_1072 = arith.sitofp %all_reduce_population_count3A_1071 : vector<16xi32> to vector<16xf32>
      %max3A_1073 = arith.constant 1.000000e+00 : f32
      %max3A_1074 = vector.broadcast %max3A_1073 : f32 to vector<16xf32>
      %max3A_1075 = arith.maximumf %convert_element_type3A_1072, %max3A_1074 : vector<16xf32>
      %div3A_1076 = arith.divf %mul3A_1067, %max3A_1075 : vector<16xf32>
      %add3A_1077 = arith.addf %add3A_1007, %div3A_1076 : vector<16xf32>
      tpu.vector_store_idx %arg5[%sub3A_1062], %mul3A_1063 {add = true} : memref<128xf32, #tpu.memory_space<vmem>>[vector<16xi32>], vector<16xf32>,
      tpu.vector_store_idx %arg6[%sub3A_1062], %mul3A_1064 {add = true} : memref<128xf32, #tpu.memory_space<vmem>>[vector<16xi32>], vector<16xf32>,
      %gather3A_1078 = tpu.vector_load_idx %arg5[%sub3A_1062] : memref<128xf32, #tpu.memory_space<vmem>>[vector<16xi32>], vector<16xf32>,
      %gather3A_1079 = tpu.vector_load_idx %arg6[%sub3A_1062] : memref<128xf32, #tpu.memory_space<vmem>>[vector<16xi32>], vector<16xf32>,
      tpu.vector_store_idx %arg5[%sub3A_1062], %broadcast_in_dim3A_57 : memref<128xf32, #tpu.memory_space<vmem>>[vector<16xi32>], vector<16xf32>,
      tpu.vector_store_idx %arg6[%sub3A_1062], %broadcast_in_dim3A_57 : memref<128xf32, #tpu.memory_space<vmem>>[vector<16xi32>], vector<16xf32>,
      %mul3A_1080 = arith.mulf %mul3A_1063, %gather3A_1078 : vector<16xf32>
      %reduce_sum3A_1081 = arith.constant true
      %reduce_sum3A_1082 = vector.broadcast %reduce_sum3A_1081 : i1 to vector<16xi1>
      %reduce_sum3A_1083 = tpu.scan <sum>, %mul3A_1080 masked %reduce_sum3A_1082 : vector<16xf32>, vector<16xi1> -> vector<16xf32>
      %reduce_sum3A_1084 = vector.extract %reduce_sum3A_1083[15] : f32 from vector<16xf32>
      %mul3A_1085 = arith.mulf %mul3A_1064, %gather3A_1079 : vector<16xf32>
      %reduce_sum3A_1086 = arith.constant true
      %reduce_sum3A_1087 = vector.broadcast %reduce_sum3A_1086 : i1 to vector<16xi1>
      %reduce_sum3A_1088 = tpu.scan <sum>, %mul3A_1085 masked %reduce_sum3A_1087 : vector<16xf32>, vector<16xi1> -> vector<16xf32>
      %reduce_sum3A_1089 = vector.extract %reduce_sum3A_1088[15] : f32 from vector<16xf32>
      %mul3A_1090 = arith.mulf %mul3A_1063, %gather3A_1079 : vector<16xf32>
      %reduce_sum3A_1091 = arith.constant true
      %reduce_sum3A_1092 = vector.broadcast %reduce_sum3A_1091 : i1 to vector<16xi1>
      %reduce_sum3A_1093 = tpu.scan <sum>, %mul3A_1090 masked %reduce_sum3A_1092 : vector<16xf32>, vector<16xi1> -> vector<16xf32>
      %reduce_sum3A_1094 = vector.extract %reduce_sum3A_1093[15] : f32 from vector<16xf32>
      %eq3A_1095 = arith.constant 13 : i32
      %eq3A_1096 = vector.broadcast %eq3A_1095 : i32 to vector<16xi32>
      %eq3A_1097 = arith.cmpi eq, %iota3A, %eq3A_1096 : vector<16xi32>
      %broadcast_in_dim3A_1098 = vector.broadcast %reduce_sum3A_1084 : f32 to vector<16xf32>
      %select_n3A_1099 = arith.select %eq3A_1097, %broadcast_in_dim3A_1098, %select_n3A_1029 : vector<16xi1>, vector<16xf32>
      %broadcast_in_dim3A_1100 = vector.broadcast %reduce_sum3A_1089 : f32 to vector<16xf32>
      %select_n3A_1101 = arith.select %eq3A_1097, %broadcast_in_dim3A_1100, %select_n3A_1031 : vector<16xi1>, vector<16xf32>
      %broadcast_in_dim3A_1102 = vector.broadcast %reduce_sum3A_1094 : f32 to vector<16xf32>
      %select_n3A_1103 = arith.select %eq3A_1097, %broadcast_in_dim3A_1102, %select_n3A_1033 : vector<16xi1>, vector<16xf32>
      %select_n3A_1104 = arith.select %eq3A_1097, %convert_element_type3A_1072, %select_n3A_1034 : vector<16xi1>, vector<16xf32>
      %mul3A_1105 = arith.constant 256 : i32
      %mul3A_1106 = arith.muli %scan3A_131, %mul3A_1105 : i32
      %add3A_1107 = arith.constant 224 : i32
      %add3A_1108 = arith.addi %mul3A_1106, %add3A_1107 : i32
      %get3A_1109 = arith.index_cast %add3A_1108 : i32 to index
      %get3A_1110 = tpu.vector_load %arg4[%get3A_1109] {strides = array<i32>} : memref<25088xf32, #tpu.memory_space<vmem>>, vector<16xf32>,
      %add3A_1111 = arith.constant 8192 : i32
      %add3A_1112 = arith.addi %add3A_1111, %add3A_1108 : i32
      %get3A_1113 = arith.index_cast %add3A_1112 : i32 to index
      %get3A_1114 = tpu.vector_load %arg4[%get3A_1113] {strides = array<i32>} : memref<25088xf32, #tpu.memory_space<vmem>>, vector<16xf32>,
      %add3A_1115 = arith.constant 16384 : i32
      %add3A_1116 = arith.addi %add3A_1115, %add3A_1108 : i32
      %get3A_1117 = arith.index_cast %add3A_1116 : i32 to index
      %get3A_1118 = tpu.vector_load %arg4[%get3A_1117] {strides = array<i32>} : memref<25088xf32, #tpu.memory_space<vmem>>, vector<16xf32>,
      %bitcast3A_1119 = vector.bitcast %get3A_1118 : vector<16xf32> to vector<16xi32>
      %shift_right_arithmetic3A_1120 = arith.constant 8 : i32
      %shift_right_arithmetic3A_1121 = vector.broadcast %shift_right_arithmetic3A_1120 : i32 to vector<16xi32>
      %shift_right_arithmetic3A_1122 = arith.shrsi %bitcast3A_1119, %shift_right_arithmetic3A_1121 : vector<16xi32>
      %convert_element_type3A_1123 = arith.sitofp %shift_right_arithmetic3A_1122 : vector<16xi32> to vector<16xf32>
      %and3A_1124 = arith.constant 255 : i32
      %and3A_1125 = vector.broadcast %and3A_1124 : i32 to vector<16xi32>
      %and3A_1126 = arith.andi %bitcast3A_1119, %and3A_1125 : vector<16xi32>
      %max3A_1127 = arith.constant 1 : i32
      %max3A_1128 = vector.broadcast %max3A_1127 : i32 to vector<16xi32>
      %max3A_1129 = arith.maxsi %and3A_1126, %max3A_1128 : vector<16xi32>
      %sub3A_1130 = arith.constant 1 : i32
      %sub3A_1131 = vector.broadcast %sub3A_1130 : i32 to vector<16xi32>
      %sub3A_1132 = arith.subi %max3A_1129, %sub3A_1131 : vector<16xi32>
      %mul3A_1133 = arith.mulf %get3A_1110, %convert_element_type3A_1123 : vector<16xf32>
      %mul3A_1134 = arith.mulf %get3A_1114, %convert_element_type3A_1123 : vector<16xf32>
      %sub3A_1135 = arith.subf %get3A_1110, %get3A_1114 : vector<16xf32>
      %mul3A_1136 = arith.mulf %sub3A_1135, %sub3A_1135 : vector<16xf32>
      %mul3A_1137 = arith.mulf %mul3A_1136, %convert_element_type3A_1123 : vector<16xf32>
      %ne3A_1138 = arith.constant 0 : i32
      %ne3A_1139 = vector.broadcast %ne3A_1138 : i32 to vector<16xi32>
      %ne3A_1140 = arith.cmpi ne, %shift_right_arithmetic3A_1122, %ne3A_1139 : vector<16xi32>
      %all_reduce_population_count3A_1141 = tpu.all_reduce %ne3A_1140 {dim = 0 : i64, kind = #tpu.reduction_kind<sum>} : vector<16xi1> -> vector<16xi32>
      %convert_element_type3A_1142 = arith.sitofp %all_reduce_population_count3A_1141 : vector<16xi32> to vector<16xf32>
      %max3A_1143 = arith.constant 1.000000e+00 : f32
      %max3A_1144 = vector.broadcast %max3A_1143 : f32 to vector<16xf32>
      %max3A_1145 = arith.maximumf %convert_element_type3A_1142, %max3A_1144 : vector<16xf32>
      %div3A_1146 = arith.divf %mul3A_1137, %max3A_1145 : vector<16xf32>
      %add3A_1147 = arith.addf %add3A_1077, %div3A_1146 : vector<16xf32>
      tpu.vector_store_idx %arg5[%sub3A_1132], %mul3A_1133 {add = true} : memref<128xf32, #tpu.memory_space<vmem>>[vector<16xi32>], vector<16xf32>,
      tpu.vector_store_idx %arg6[%sub3A_1132], %mul3A_1134 {add = true} : memref<128xf32, #tpu.memory_space<vmem>>[vector<16xi32>], vector<16xf32>,
      %gather3A_1148 = tpu.vector_load_idx %arg5[%sub3A_1132] : memref<128xf32, #tpu.memory_space<vmem>>[vector<16xi32>], vector<16xf32>,
      %gather3A_1149 = tpu.vector_load_idx %arg6[%sub3A_1132] : memref<128xf32, #tpu.memory_space<vmem>>[vector<16xi32>], vector<16xf32>,
      tpu.vector_store_idx %arg5[%sub3A_1132], %broadcast_in_dim3A_57 : memref<128xf32, #tpu.memory_space<vmem>>[vector<16xi32>], vector<16xf32>,
      tpu.vector_store_idx %arg6[%sub3A_1132], %broadcast_in_dim3A_57 : memref<128xf32, #tpu.memory_space<vmem>>[vector<16xi32>], vector<16xf32>,
      %mul3A_1150 = arith.mulf %mul3A_1133, %gather3A_1148 : vector<16xf32>
      %reduce_sum3A_1151 = arith.constant true
      %reduce_sum3A_1152 = vector.broadcast %reduce_sum3A_1151 : i1 to vector<16xi1>
      %reduce_sum3A_1153 = tpu.scan <sum>, %mul3A_1150 masked %reduce_sum3A_1152 : vector<16xf32>, vector<16xi1> -> vector<16xf32>
      %reduce_sum3A_1154 = vector.extract %reduce_sum3A_1153[15] : f32 from vector<16xf32>
      %mul3A_1155 = arith.mulf %mul3A_1134, %gather3A_1149 : vector<16xf32>
      %reduce_sum3A_1156 = arith.constant true
      %reduce_sum3A_1157 = vector.broadcast %reduce_sum3A_1156 : i1 to vector<16xi1>
      %reduce_sum3A_1158 = tpu.scan <sum>, %mul3A_1155 masked %reduce_sum3A_1157 : vector<16xf32>, vector<16xi1> -> vector<16xf32>
      %reduce_sum3A_1159 = vector.extract %reduce_sum3A_1158[15] : f32 from vector<16xf32>
      %mul3A_1160 = arith.mulf %mul3A_1133, %gather3A_1149 : vector<16xf32>
      %reduce_sum3A_1161 = arith.constant true
      %reduce_sum3A_1162 = vector.broadcast %reduce_sum3A_1161 : i1 to vector<16xi1>
      %reduce_sum3A_1163 = tpu.scan <sum>, %mul3A_1160 masked %reduce_sum3A_1162 : vector<16xf32>, vector<16xi1> -> vector<16xf32>
      %reduce_sum3A_1164 = vector.extract %reduce_sum3A_1163[15] : f32 from vector<16xf32>
      %eq3A_1165 = arith.constant 14 : i32
      %eq3A_1166 = vector.broadcast %eq3A_1165 : i32 to vector<16xi32>
      %eq3A_1167 = arith.cmpi eq, %iota3A, %eq3A_1166 : vector<16xi32>
      %broadcast_in_dim3A_1168 = vector.broadcast %reduce_sum3A_1154 : f32 to vector<16xf32>
      %select_n3A_1169 = arith.select %eq3A_1167, %broadcast_in_dim3A_1168, %select_n3A_1099 : vector<16xi1>, vector<16xf32>
      %broadcast_in_dim3A_1170 = vector.broadcast %reduce_sum3A_1159 : f32 to vector<16xf32>
      %select_n3A_1171 = arith.select %eq3A_1167, %broadcast_in_dim3A_1170, %select_n3A_1101 : vector<16xi1>, vector<16xf32>
      %broadcast_in_dim3A_1172 = vector.broadcast %reduce_sum3A_1164 : f32 to vector<16xf32>
      %select_n3A_1173 = arith.select %eq3A_1167, %broadcast_in_dim3A_1172, %select_n3A_1103 : vector<16xi1>, vector<16xf32>
      %select_n3A_1174 = arith.select %eq3A_1167, %convert_element_type3A_1142, %select_n3A_1104 : vector<16xi1>, vector<16xf32>
      %mul3A_1175 = arith.constant 256 : i32
      %mul3A_1176 = arith.muli %scan3A_131, %mul3A_1175 : i32
      %add3A_1177 = arith.constant 240 : i32
      %add3A_1178 = arith.addi %mul3A_1176, %add3A_1177 : i32
      %get3A_1179 = arith.index_cast %add3A_1178 : i32 to index
      %get3A_1180 = tpu.vector_load %arg4[%get3A_1179] {strides = array<i32>} : memref<25088xf32, #tpu.memory_space<vmem>>, vector<16xf32>,
      %add3A_1181 = arith.constant 8192 : i32
      %add3A_1182 = arith.addi %add3A_1181, %add3A_1178 : i32
      %get3A_1183 = arith.index_cast %add3A_1182 : i32 to index
      %get3A_1184 = tpu.vector_load %arg4[%get3A_1183] {strides = array<i32>} : memref<25088xf32, #tpu.memory_space<vmem>>, vector<16xf32>,
      %add3A_1185 = arith.constant 16384 : i32
      %add3A_1186 = arith.addi %add3A_1185, %add3A_1178 : i32
      %get3A_1187 = arith.index_cast %add3A_1186 : i32 to index
      %get3A_1188 = tpu.vector_load %arg4[%get3A_1187] {strides = array<i32>} : memref<25088xf32, #tpu.memory_space<vmem>>, vector<16xf32>,
      %bitcast3A_1189 = vector.bitcast %get3A_1188 : vector<16xf32> to vector<16xi32>
      %shift_right_arithmetic3A_1190 = arith.constant 8 : i32
      %shift_right_arithmetic3A_1191 = vector.broadcast %shift_right_arithmetic3A_1190 : i32 to vector<16xi32>
      %shift_right_arithmetic3A_1192 = arith.shrsi %bitcast3A_1189, %shift_right_arithmetic3A_1191 : vector<16xi32>
      %convert_element_type3A_1193 = arith.sitofp %shift_right_arithmetic3A_1192 : vector<16xi32> to vector<16xf32>
      %and3A_1194 = arith.constant 255 : i32
      %and3A_1195 = vector.broadcast %and3A_1194 : i32 to vector<16xi32>
      %and3A_1196 = arith.andi %bitcast3A_1189, %and3A_1195 : vector<16xi32>
      %max3A_1197 = arith.constant 1 : i32
      %max3A_1198 = vector.broadcast %max3A_1197 : i32 to vector<16xi32>
      %max3A_1199 = arith.maxsi %and3A_1196, %max3A_1198 : vector<16xi32>
      %sub3A_1200 = arith.constant 1 : i32
      %sub3A_1201 = vector.broadcast %sub3A_1200 : i32 to vector<16xi32>
      %sub3A_1202 = arith.subi %max3A_1199, %sub3A_1201 : vector<16xi32>
      %mul3A_1203 = arith.mulf %get3A_1180, %convert_element_type3A_1193 : vector<16xf32>
      %mul3A_1204 = arith.mulf %get3A_1184, %convert_element_type3A_1193 : vector<16xf32>
      %sub3A_1205 = arith.subf %get3A_1180, %get3A_1184 : vector<16xf32>
      %mul3A_1206 = arith.mulf %sub3A_1205, %sub3A_1205 : vector<16xf32>
      %mul3A_1207 = arith.mulf %mul3A_1206, %convert_element_type3A_1193 : vector<16xf32>
      %ne3A_1208 = arith.constant 0 : i32
      %ne3A_1209 = vector.broadcast %ne3A_1208 : i32 to vector<16xi32>
      %ne3A_1210 = arith.cmpi ne, %shift_right_arithmetic3A_1192, %ne3A_1209 : vector<16xi32>
      %all_reduce_population_count3A_1211 = tpu.all_reduce %ne3A_1210 {dim = 0 : i64, kind = #tpu.reduction_kind<sum>} : vector<16xi1> -> vector<16xi32>
      %convert_element_type3A_1212 = arith.sitofp %all_reduce_population_count3A_1211 : vector<16xi32> to vector<16xf32>
      %max3A_1213 = arith.constant 1.000000e+00 : f32
      %max3A_1214 = vector.broadcast %max3A_1213 : f32 to vector<16xf32>
      %max3A_1215 = arith.maximumf %convert_element_type3A_1212, %max3A_1214 : vector<16xf32>
      %div3A_1216 = arith.divf %mul3A_1207, %max3A_1215 : vector<16xf32>
      %add3A_1217 = arith.addf %add3A_1147, %div3A_1216 : vector<16xf32>
      tpu.vector_store_idx %arg5[%sub3A_1202], %mul3A_1203 {add = true} : memref<128xf32, #tpu.memory_space<vmem>>[vector<16xi32>], vector<16xf32>,
      tpu.vector_store_idx %arg6[%sub3A_1202], %mul3A_1204 {add = true} : memref<128xf32, #tpu.memory_space<vmem>>[vector<16xi32>], vector<16xf32>,
      %gather3A_1218 = tpu.vector_load_idx %arg5[%sub3A_1202] : memref<128xf32, #tpu.memory_space<vmem>>[vector<16xi32>], vector<16xf32>,
      %gather3A_1219 = tpu.vector_load_idx %arg6[%sub3A_1202] : memref<128xf32, #tpu.memory_space<vmem>>[vector<16xi32>], vector<16xf32>,
      tpu.vector_store_idx %arg5[%sub3A_1202], %broadcast_in_dim3A_57 : memref<128xf32, #tpu.memory_space<vmem>>[vector<16xi32>], vector<16xf32>,
      tpu.vector_store_idx %arg6[%sub3A_1202], %broadcast_in_dim3A_57 : memref<128xf32, #tpu.memory_space<vmem>>[vector<16xi32>], vector<16xf32>,
      %mul3A_1220 = arith.mulf %mul3A_1203, %gather3A_1218 : vector<16xf32>
      %reduce_sum3A_1221 = arith.constant true
      %reduce_sum3A_1222 = vector.broadcast %reduce_sum3A_1221 : i1 to vector<16xi1>
      %reduce_sum3A_1223 = tpu.scan <sum>, %mul3A_1220 masked %reduce_sum3A_1222 : vector<16xf32>, vector<16xi1> -> vector<16xf32>
      %reduce_sum3A_1224 = vector.extract %reduce_sum3A_1223[15] : f32 from vector<16xf32>
      %mul3A_1225 = arith.mulf %mul3A_1204, %gather3A_1219 : vector<16xf32>
      %reduce_sum3A_1226 = arith.constant true
      %reduce_sum3A_1227 = vector.broadcast %reduce_sum3A_1226 : i1 to vector<16xi1>
      %reduce_sum3A_1228 = tpu.scan <sum>, %mul3A_1225 masked %reduce_sum3A_1227 : vector<16xf32>, vector<16xi1> -> vector<16xf32>
      %reduce_sum3A_1229 = vector.extract %reduce_sum3A_1228[15] : f32 from vector<16xf32>
      %mul3A_1230 = arith.mulf %mul3A_1203, %gather3A_1219 : vector<16xf32>
      %reduce_sum3A_1231 = arith.constant true
      %reduce_sum3A_1232 = vector.broadcast %reduce_sum3A_1231 : i1 to vector<16xi1>
      %reduce_sum3A_1233 = tpu.scan <sum>, %mul3A_1230 masked %reduce_sum3A_1232 : vector<16xf32>, vector<16xi1> -> vector<16xf32>
      %reduce_sum3A_1234 = vector.extract %reduce_sum3A_1233[15] : f32 from vector<16xf32>
      %eq3A_1235 = arith.constant 15 : i32
      %eq3A_1236 = vector.broadcast %eq3A_1235 : i32 to vector<16xi32>
      %eq3A_1237 = arith.cmpi eq, %iota3A, %eq3A_1236 : vector<16xi32>
      %broadcast_in_dim3A_1238 = vector.broadcast %reduce_sum3A_1224 : f32 to vector<16xf32>
      %select_n3A_1239 = arith.select %eq3A_1237, %broadcast_in_dim3A_1238, %select_n3A_1169 : vector<16xi1>, vector<16xf32>
      %broadcast_in_dim3A_1240 = vector.broadcast %reduce_sum3A_1229 : f32 to vector<16xf32>
      %select_n3A_1241 = arith.select %eq3A_1237, %broadcast_in_dim3A_1240, %select_n3A_1171 : vector<16xi1>, vector<16xf32>
      %broadcast_in_dim3A_1242 = vector.broadcast %reduce_sum3A_1234 : f32 to vector<16xf32>
      %select_n3A_1243 = arith.select %eq3A_1237, %broadcast_in_dim3A_1242, %select_n3A_1173 : vector<16xi1>, vector<16xf32>
      %select_n3A_1244 = arith.select %eq3A_1237, %convert_element_type3A_1212, %select_n3A_1174 : vector<16xi1>, vector<16xf32>
      %mul3A_1245 = arith.constant 16 : i32
      %mul3A_1246 = arith.muli %scan3A_131, %mul3A_1245 : i32
      %add3A_1247 = arith.constant 24576 : i32
      %add3A_1248 = arith.addi %add3A_1247, %mul3A_1246 : i32
      %get3A_1249 = arith.index_cast %add3A_1248 : i32 to index
      %get3A_1250 = tpu.vector_load %arg4[%get3A_1249] {strides = array<i32>} : memref<25088xf32, #tpu.memory_space<vmem>>, vector<16xf32>,
      %sub3A_1251 = arith.subf %get3A_1250, %select_n3A_1244 : vector<16xf32>
      %mul3A_1252 = arith.mulf %sub3A_1251, %sub3A_1251 : vector<16xf32>
      %add3A_1253 = arith.addf %scan3A_133, %mul3A_1252 : vector<16xf32>
      %max3A_1254 = arith.constant 1.000000e-16 : f32
      %max3A_1255 = vector.broadcast %max3A_1254 : f32 to vector<16xf32>
      %max3A_1256 = arith.maximumf %select_n3A_1239, %max3A_1255 : vector<16xf32>
      %max3A_1257 = arith.constant 1.000000e-16 : f32
      %max3A_1258 = vector.broadcast %max3A_1257 : f32 to vector<16xf32>
      %max3A_1259 = arith.maximumf %select_n3A_1241, %max3A_1258 : vector<16xf32>
      %mul3A_1260 = arith.mulf %max3A_1256, %max3A_1259 : vector<16xf32>
      %bitcast_convert_type3A = tpu.bitcast %mul3A_1260 : vector<16xf32> -> vector<16xi32>
      %shift_right_arithmetic3A_1261 = arith.constant 1 : i32
      %shift_right_arithmetic3A_1262 = vector.broadcast %shift_right_arithmetic3A_1261 : i32 to vector<16xi32>
      %shift_right_arithmetic3A_1263 = arith.shrsi %bitcast_convert_type3A, %shift_right_arithmetic3A_1262 : vector<16xi32>
      %sub3A_1264 = arith.constant 1597463007 : i32
      %sub3A_1265 = vector.broadcast %sub3A_1264 : i32 to vector<16xi32>
      %sub3A_1266 = arith.subi %sub3A_1265, %shift_right_arithmetic3A_1263 : vector<16xi32>
      %bitcast_convert_type3A_1267 = tpu.bitcast %sub3A_1266 : vector<16xi32> -> vector<16xf32>
      %mul3A_1268 = arith.constant 5.000000e-01 : f32
      %mul3A_1269 = vector.broadcast %mul3A_1268 : f32 to vector<16xf32>
      %mul3A_1270 = arith.mulf %mul3A_1269, %mul3A_1260 : vector<16xf32>
      %mul3A_1271 = arith.mulf %mul3A_1270, %bitcast_convert_type3A_1267 : vector<16xf32>
      %mul3A_1272 = arith.mulf %mul3A_1271, %bitcast_convert_type3A_1267 : vector<16xf32>
      %sub3A_1273 = arith.constant 1.500000e+00 : f32
      %sub3A_1274 = vector.broadcast %sub3A_1273 : f32 to vector<16xf32>
      %sub3A_1275 = arith.subf %sub3A_1274, %mul3A_1272 : vector<16xf32>
      %mul3A_1276 = arith.mulf %bitcast_convert_type3A_1267, %sub3A_1275 : vector<16xf32>
      %mul3A_1277 = arith.constant 5.000000e-01 : f32
      %mul3A_1278 = vector.broadcast %mul3A_1277 : f32 to vector<16xf32>
      %mul3A_1279 = arith.mulf %mul3A_1278, %mul3A_1260 : vector<16xf32>
      %mul3A_1280 = arith.mulf %mul3A_1279, %mul3A_1276 : vector<16xf32>
      %mul3A_1281 = arith.mulf %mul3A_1280, %mul3A_1276 : vector<16xf32>
      %sub3A_1282 = arith.constant 1.500000e+00 : f32
      %sub3A_1283 = vector.broadcast %sub3A_1282 : f32 to vector<16xf32>
      %sub3A_1284 = arith.subf %sub3A_1283, %mul3A_1281 : vector<16xf32>
      %mul3A_1285 = arith.mulf %mul3A_1276, %sub3A_1284 : vector<16xf32>
      %mul3A_1286 = arith.constant 5.000000e-01 : f32
      %mul3A_1287 = vector.broadcast %mul3A_1286 : f32 to vector<16xf32>
      %mul3A_1288 = arith.mulf %mul3A_1287, %mul3A_1260 : vector<16xf32>
      %mul3A_1289 = arith.mulf %mul3A_1288, %mul3A_1285 : vector<16xf32>
      %mul3A_1290 = arith.mulf %mul3A_1289, %mul3A_1285 : vector<16xf32>
      %sub3A_1291 = arith.constant 1.500000e+00 : f32
      %sub3A_1292 = vector.broadcast %sub3A_1291 : f32 to vector<16xf32>
      %sub3A_1293 = arith.subf %sub3A_1292, %mul3A_1290 : vector<16xf32>
      %mul3A_1294 = arith.mulf %mul3A_1285, %sub3A_1293 : vector<16xf32>
      %mul3A_1295 = arith.mulf %select_n3A_1243, %mul3A_1294 : vector<16xf32>
      %add3A_1296 = arith.addf %scan3A_134, %mul3A_1295 : vector<16xf32>
      %mul3A_1297 = arith.constant 2.000000e+00 : f32
      %mul3A_1298 = vector.broadcast %mul3A_1297 : f32 to vector<16xf32>
      %mul3A_1299 = arith.mulf %mul3A_1298, %select_n3A_1243 : vector<16xf32>
      %sub3A_1300 = arith.subf %select_n3A_1239, %mul3A_1299 : vector<16xf32>
      %add3A_1301 = arith.addf %sub3A_1300, %select_n3A_1241 : vector<16xf32>
      %add3A_1302 = arith.addf %scan3A_135, %add3A_1301 : vector<16xf32>
      scf.yield %add3A_1217, %add3A_1253, %add3A_1296, %add3A_1302 : vector<16xf32>, vector<16xf32>, vector<16xf32>, vector<16xf32>
    }
    %scan3A_93 = arith.constant 32 : i32
    %reduce_sum3A = arith.constant true
    %reduce_sum3A_94 = vector.broadcast %reduce_sum3A : i1 to vector<16xi1>
    %reduce_sum3A_95 = tpu.scan <sum>, %scan3A_92#0 masked %reduce_sum3A_94 : vector<16xf32>, vector<16xi1> -> vector<16xf32>
    %reduce_sum3A_96 = vector.extract %reduce_sum3A_95[15] : f32 from vector<16xf32>
    %reduce_sum3A_97 = arith.constant true
    %reduce_sum3A_98 = vector.broadcast %reduce_sum3A_97 : i1 to vector<16xi1>
    %reduce_sum3A_99 = tpu.scan <sum>, %scan3A_92#1 masked %reduce_sum3A_98 : vector<16xf32>, vector<16xi1> -> vector<16xf32>
    %reduce_sum3A_100 = vector.extract %reduce_sum3A_99[15] : f32 from vector<16xf32>
    %reduce_sum3A_101 = arith.constant true
    %reduce_sum3A_102 = vector.broadcast %reduce_sum3A_101 : i1 to vector<16xi1>
    %reduce_sum3A_103 = tpu.scan <sum>, %scan3A_92#2 masked %reduce_sum3A_102 : vector<16xf32>, vector<16xi1> -> vector<16xf32>
    %reduce_sum3A_104 = vector.extract %reduce_sum3A_103[15] : f32 from vector<16xf32>
    %reduce_sum3A_105 = arith.constant true
    %reduce_sum3A_106 = vector.broadcast %reduce_sum3A_105 : i1 to vector<16xi1>
    %reduce_sum3A_107 = tpu.scan <sum>, %scan3A_92#3 masked %reduce_sum3A_106 : vector<16xf32>, vector<16xi1> -> vector<16xf32>
    %reduce_sum3A_108 = vector.extract %reduce_sum3A_107[15] : f32 from vector<16xf32>
    %broadcast_in_dim3A_109 = arith.constant 0.000000e+00 : f32
    %broadcast_in_dim3A_110 = vector.broadcast %broadcast_in_dim3A_109 : f32 to vector<16xf32>
    %eq3A = arith.constant 0 : i32
    %eq3A_111 = vector.broadcast %eq3A : i32 to vector<16xi32>
    %eq3A_112 = arith.cmpi eq, %iota3A, %eq3A_111 : vector<16xi32>
    %broadcast_in_dim3A_113 = vector.broadcast %reduce_sum3A_96 : f32 to vector<16xf32>
    %select_n3A = arith.select %eq3A_112, %broadcast_in_dim3A_113, %broadcast_in_dim3A_110 : vector<16xi1>, vector<16xf32>
    %eq3A_114 = arith.constant 1 : i32
    %eq3A_115 = vector.broadcast %eq3A_114 : i32 to vector<16xi32>
    %eq3A_116 = arith.cmpi eq, %iota3A, %eq3A_115 : vector<16xi32>
    %broadcast_in_dim3A_117 = vector.broadcast %reduce_sum3A_100 : f32 to vector<16xf32>
    %select_n3A_118 = arith.select %eq3A_116, %broadcast_in_dim3A_117, %select_n3A : vector<16xi1>, vector<16xf32>
    %eq3A_119 = arith.constant 2 : i32
    %eq3A_120 = vector.broadcast %eq3A_119 : i32 to vector<16xi32>
    %eq3A_121 = arith.cmpi eq, %iota3A, %eq3A_120 : vector<16xi32>
    %broadcast_in_dim3A_122 = vector.broadcast %reduce_sum3A_104 : f32 to vector<16xf32>
    %select_n3A_123 = arith.select %eq3A_121, %broadcast_in_dim3A_122, %select_n3A_118 : vector<16xi1>, vector<16xf32>
    %eq3A_124 = arith.constant 3 : i32
    %eq3A_125 = vector.broadcast %eq3A_124 : i32 to vector<16xi32>
    %eq3A_126 = arith.cmpi eq, %iota3A, %eq3A_125 : vector<16xi32>
    %broadcast_in_dim3A_127 = vector.broadcast %reduce_sum3A_108 : f32 to vector<16xf32>
    %select_n3A_128 = arith.select %eq3A_126, %broadcast_in_dim3A_127, %select_n3A_123 : vector<16xi1>, vector<16xf32>
    %swap3A_129 = arith.constant 0 : index
    %swap3A_130 = tpu.vector_load %arg7[%swap3A_129] {strides = array<i32>} : memref<16xf32, #tpu.memory_space<vmem>>, vector<16xf32>,
    tpu.vector_store %arg7[%swap3A_129], %select_n3A_128 {strides = array<i32>} : memref<16xf32, #tpu.memory_space<vmem>>, vector<16xf32>,
    "tpu.region"() ({
      %run_scoped3A = tpu.sem_alloc : memref<!tpu.dma_semaphore, #tpu.memory_space<semaphore_mem>>
      %dma_start3A_131 = arith.constant 0 : i32
      %dma_start3A_132 = tpu.memref_slice %arg3[%add3A, %dma_start3A_131] : memref<32x16xf32, #tpu.memory_space<hbm>> -> memref<1x16xf32, #tpu.memory_space<hbm>>
      %dma_start3A_133 = tpu.memref_squeeze %dma_start3A_132 : memref<1x16xf32, #tpu.memory_space<hbm>> -> memref<16xf32, #tpu.memory_space<hbm>>
      %dma_start3A_134 = arith.constant 0 : i32
      %dma_start3A_135 = tpu.memref_slice %arg3[%add3A, %dma_start3A_134] : memref<32x16xf32, #tpu.memory_space<hbm>> -> memref<1x16xf32, #tpu.memory_space<hbm>>
      %dma_start3A_136 = tpu.memref_squeeze %dma_start3A_135 : memref<1x16xf32, #tpu.memory_space<hbm>> -> memref<16xf32, #tpu.memory_space<hbm>>
      tpu.enqueue_dma source(%arg7 : memref<16xf32, #tpu.memory_space<vmem>>) target(%dma_start3A_136 : memref<16xf32, #tpu.memory_space<hbm>>) target_semaphore(%run_scoped3A : memref<!tpu.dma_semaphore, #tpu.memory_space<semaphore_mem>>)
      %dma_wait3A_137 = arith.constant 0 : i32
      %dma_wait3A_138 = tpu.memref_slice %arg3[%add3A, %dma_wait3A_137] : memref<32x16xf32, #tpu.memory_space<hbm>> -> memref<1x16xf32, #tpu.memory_space<hbm>>
      %dma_wait3A_139 = tpu.memref_squeeze %dma_wait3A_138 : memref<1x16xf32, #tpu.memory_space<hbm>> -> memref<16xf32, #tpu.memory_space<hbm>>
      %dma_wait3A_140 = arith.constant 0 : i32
      %dma_wait3A_141 = tpu.memref_slice %arg3[%add3A, %dma_wait3A_140] : memref<32x16xf32, #tpu.memory_space<hbm>> -> memref<1x16xf32, #tpu.memory_space<hbm>>
      %dma_wait3A_142 = tpu.memref_squeeze %dma_wait3A_141 : memref<1x16xf32, #tpu.memory_space<hbm>> -> memref<16xf32, #tpu.memory_space<hbm>>
      tpu.wait_dma2 semaphore(%run_scoped3A : memref<!tpu.dma_semaphore, #tpu.memory_space<semaphore_mem>>) src(%arg7 : memref<16xf32, #tpu.memory_space<vmem>>) dst(%dma_wait3A_142 : memref<16xf32, #tpu.memory_space<hbm>>)
      tpu.yield
    }) : () -> ()
    return
  }
}

</mosaic_0001>

<sc_bundles>
// kernel: kernel.3.cloned.1.call-start
scs
__scs_entry_jumppad:
0x0: {  	(pc) =	sbr.rel $0x88, $3  }
0x1: {  	(tag) =	ssettag $0x0;
	lr =	simm.s32 $0x1  }
0x2: {  	[smem:$0x3F9C] =	sst lr;
	_ =	strace $0xD0000000  }
0x3: {  	_ = 	snop  }
0x4: {  	_ = 	snop  }
0x5: {  	_ = 	snop  }
0x6: {  	_ = 	snop  }
0x7: {  	_ = 	snop  }
__scs_overlays_trampoline_lowered:
0x8: {  	[smem:$0x3FAB] =	sst s0  }
0x9: {  	[smem:$0x3FAC] =	sst s1  }
0xa: {  	[smem:$0x3FAD] =	sst s2  }
0xb: {  	[smem:$0x3FAE] =	sst s3  }
0xc: {  	[smem:$0x3FAF] =	sst s4  }
0xd: {  	[smem:$0x3FB0] =	sst s5  }
0xe: {  	[smem:$0x3FB1] =	sst s6  }
0xf: {  	[smem:$0x3FB2] =	sst s7  }
0x10: {  	[smem:$0x3FB3] =	sst s8  }
0x11: {  	[smem:$0x3FB4] =	sst s9;
	s0 =	simm.s32 @!p0 $0x0  }
0x12: {  	s1 =	sld [smem:$0x3F9A];
	s0 =	simm.s32 @p0 $0x1  }
0x13: {  	[smem:$0x3FB5] =	sst s0;
	s0 =	simm.s32 @!p1 $0x0  }
0x14: {  	s2 =	sld [smem:$0x3F99];
	s0 =	simm.s32 @p1 $0x1  }
0x15: {  	[smem:$0x3FB6] =	sst s0;
	s0 =	simm.s32 @!p2 $0x0  }
0x16: {  	s3 =	sld [smem:$0x3FDB];
	s0 =	simm.s32 @p2 $0x1  }
0x17: {  	s4 =	simm.s32 $0x1BF5;
	[smem:$0x3FB8] =	sst s0  }
0x18: {  	s0 =	sld [smem:$0x3F9B];
	_ =	swait.ge [sflag:s4], $0x0  }
0x19: {  	s7 =	sld [smem:$0x3F9C]  }
0x1a: {  	s8 =	sadd.s32 $0xFFFFE003, lr  }
0x1b: {  	s9 =	sadd.s32 $0xFFFFFEF7, lr;
	s5 =	simm.s32 $0xFFFFFFFF;
	p2 =	slt.u32 s8, $0xFFFFF086  }
0x1c: {  	p1 =	slt.u32 s9, $0xF7A;
	s5 =	simm.s32 @!p2 $0x0  }
0x1d: {  	s5 =	simm.s32 @p1 $0x1;
	p0 =	seq.s32 s7, s2  }
0x1e: {  	s7 =	smul.u32 @!p0 $0xF7A, s2;
	p2 =	seq.s32 @!p0 s5, $0x0  }
0x1f: {  	s9 =	smul.u32 $0xF7A, s1;
	s8 =	simm.s32 @!p0 $0x1BF5;
	p2 =	por !p2, p0  }
0x20: {  	[sflag:s8] =	ssyncset.s32 @!p0 $0xFFFFF086;
	s6 =	sadd.s32 @!p0 s3, s7;
	s7 =	simm.s32 @!p0 $0x108  }
0x21: {  	s3 =	sadd.s32 s3, s9;
	s6 =	sadd.s32 @!p0 $0x88, s6;
	s7 =	simm.s32 @p2 $0x1082  }
0x22: {  	[simem:s7], [sflag:s8] =	dma.local @!p0 [hbm:s6], $0xF7A  }
0x23: {  	s9 =	sor.u32 $0xD0000000, s2;
	s6 =	simm.s32 $0x108;
	_ =	swait.ge @!p0 [sflag:s8], $0x0  }
0x24: {  	s3 =	sadd.s32 $0x88, s3;
	s6 =	simm.s32 @!p1 $0x1082;
	[sflag:s4] =	ssyncset.s32 $0xFFFFF086  }
0x25: {  	[simem:s6], [sflag:s4] =	dma.local [hbm:s3], $0xF7A  }
0x26: {  	[smem:$0x3F9C] =	sst s1;
	(tag) =	ssettag s2;
	_ =	strace s9  }
0x27: {  	s1 =	sld [smem:$0x3FAC]  }
0x28: {  	s2 =	sld [smem:$0x3FAD]  }
0x29: {  	s4 =	sld [smem:$0x3FAF]  }
0x2a: {  	p0 =	seq.s32 s5, $0x0;
	s5 =	sld [smem:$0x3FB0]  }
0x2b: {  	s6 =	sld [smem:$0x3FB1]  }
0x2c: {  	s7 =	sld [smem:$0x3FB2]  }
0x2d: {  	s3 =	simm.s32 $0x108;
	s8 =	sld [smem:$0x3FB3]  }
0x2e: {  	s3 =	simm.s32 @!p0 $0x1082;
	s9 =	sld [smem:$0x3FB4]  }
0x2f: {  	lr =	sadd.s32 s0, s3;
	s0 =	sld [smem:$0x3FAB]  }
0x30: {  	s3 =	sld [smem:$0x3FAE]  }
0x31: {  	[smem:$0x3FB7] =	sst s10  }
0x32: {  	s10 =	sld [smem:$0x3FB5];
	_ =	sdelay $0x3  }
0x33: {  	p0 =	seq.s32 s10, $0x1;
	s10 =	sld [smem:$0x3FB7];
	_ =	sdelay $0x3  }
0x34: {  	[smem:$0x3FB7] =	sst s10  }
0x35: {  	s10 =	sld [smem:$0x3FB6];
	_ =	sdelay $0x3  }
0x36: {  	p1 =	seq.s32 s10, $0x1;
	s10 =	sld [smem:$0x3FB7];
	_ =	sdelay $0x3  }
0x37: {  	[smem:$0x3FB7] =	sst s10  }
0x38: {  	s10 =	sld [smem:$0x3FB8]  }
0x39: {  	_ = 	snop;
	(pc) =	sbr.ind lr, $3  }
0x3a: {  	_ = 	snop  }
0x3b: {  	_ = 	snop  }
0x3c: {  	p2 =	seq.s32 s10, $0x1;
	s10 =	sld [smem:$0x3FB7]  }
0x3d: {  	_ =	shalt  }
0x3e: {  	_ =	shalt  }
0x3f: {  	_ =	shalt  }
0x40: {  	_ =	shalt  }
0x41: {  	_ =	shalt  }
0x42: {  	_ =	shalt  }
0x43: {  	_ =	shalt  }
0x44: {  	_ =	shalt  }
0x45: {  	_ =	shalt  }
0x46: {  	_ =	shalt  }
0x47: {  	_ =	shalt  }
0x48: {  	_ =	shalt  }
0x49: {  	_ =	shalt  }
0x4a: {  	_ =	shalt  }
0x4b: {  	_ =	shalt  }
0x4c: {  	_ =	shalt  }
0x4d: {  	_ =	shalt  }
0x4e: {  	_ =	shalt  }
0x4f: {  	_ =	shalt  }
0x50: {  	_ =	shalt  }
0x51: {  	_ =	shalt  }
0x52: {  	_ =	shalt  }
0x53: {  	_ =	shalt  }
0x54: {  	_ =	shalt  }
0x55: {  	_ =	shalt  }
0x56: {  	_ =	shalt  }
0x57: {  	_ =	shalt  }
0x58: {  	_ =	shalt  }
0x59: {  	_ =	shalt  }
0x5a: {  	_ =	shalt  }
0x5b: {  	_ =	shalt  }
0x5c: {  	_ =	shalt  }
0x5d: {  	_ =	shalt  }
0x5e: {  	_ =	shalt  }
0x5f: {  	_ =	shalt  }
0x60: {  	_ =	shalt  }
0x61: {  	_ =	shalt  }
0x62: {  	_ =	shalt  }
0x63: {  	_ =	shalt  }
0x64: {  	_ =	shalt  }
0x65: {  	_ =	shalt  }
0x66: {  	_ =	shalt  }
0x67: {  	_ =	shalt  }
0x68: {  	_ =	shalt  }
0x69: {  	_ =	shalt  }
0x6a: {  	_ =	shalt  }
0x6b: {  	_ =	shalt  }
0x6c: {  	_ =	shalt  }
0x6d: {  	_ =	shalt  }
0x6e: {  	_ =	shalt  }
0x6f: {  	_ =	shalt  }
0x70: {  	_ =	shalt  }
0x71: {  	_ =	shalt  }
0x72: {  	_ =	shalt  }
0x73: {  	_ =	shalt  }
0x74: {  	_ =	shalt  }
0x75: {  	_ =	shalt  }
0x76: {  	_ =	shalt  }
0x77: {  	_ =	shalt  }
0x78: {  	_ =	shalt  }
0x79: {  	_ =	shalt  }
0x7a: {  	_ =	shalt  }
0x7b: {  	_ =	shalt  }
0x7c: {  	_ =	shalt  }
0x7d: {  	_ =	shalt  }
0x7e: {  	_ =	shalt  }
0x7f: {  	_ =	shalt  }
0x80: {  	_ =	shalt  }
0x81: {  	_ =	shalt  }
0x82: {  	_ =	shalt  }
0x83: {  	_ =	shalt  }
0x84: {  	_ =	shalt  }
0x85: {  	_ =	shalt  }
0x86: {  	_ =	shalt  }
0x87: {  	_ =	shalt  }
.Lfunc_end0:
.L_simem_size_0:
called_computation_lowered:
.L_overlay_start_0:
0x88: {  	s2 =	sld [smem:$0x3FD9]  }
0x89: {  	s3 =	sld [smem:$0x3FFE];
	_ =	sdelay $0x1  }
0x8a: {  	s1 =	srdreg.scid  }
0x8b: {  	s0 =	sand.u32 $0x1, s1  }
0x8c: {  	s16 =	sshll.u32 s0, $0xA;
	s2 =	sadd.s32 s3, s2  }
0x8d: {  	s2 =	sadd.s32 s2, s16  }
0x8e: {  	[smem:$0x3FC3] =	sst s2  }
0x8f: {  	_ = 	snop  }
0x90: {  	(tm) =	ssettm $0x1  }
0x91: {  	s17 =	sld [smem:$0x3FFB];
	_ =	sdelay $0x3  }
0x92: {  	_ =	strace s17  }
0x93: {  	s2 =	sld [smem:$0x3FFC];
	_ =	sdelay $0x3  }
0x94: {  	_ =	strace s2  }
0x95: {  	s2 =	sld [smem:$0x3FFD];
	_ =	sdelay $0x3  }
0x96: {  	_ =	strace s2  }
0x97: {  	_ =	strace $0x8FFFFFFF  }
0x98: {  	s18 =	sld [smem:$0x3FDB];
	_ =	sdelay $0x1  }
0x99: {  	s19 =	simm.s32 $_scs_section_size  }
0x9a: {  	s4 =	simm.s32 $_size__tile_overlayer_lowered;
	s5 =	simm.s32 $_tile_overlayer_lowered  }
0x9b: {  	s22 =	simm.s32 $0x1BFF;
	s21 =	sshll.u32 s5, $0x1;
	s2 =	sadd.s32 s19, s18  }
0x9c: {  	s6 =	simm.s32 $0x0;
	s20 =	sshll.u32 s4, $0x1;
	s4 =	sadd.s32 s21, s2  }
0x9d: {  	[timem:s6], [sflag:s22] =	dma.local [hbm:s4], s20  }
0x9e: {  	_ =	swait.ge [sflag:s22], s20  }
0x9f: {  	s3 =	ssub.s32 $0x0, s20;
	[sflag:s22] =	ssyncset.done $0x0  }
0xa0: {  	[sflag:s22] =	ssyncadd.s32 s3;
	_ =	sdelay $0x1  }
0xa1: {  	s23 =	simm.s32 $0x1B8B  }
0xa2: {  	_ =	swait.ge [sflag:s23], $0x1  }
0xa3: {  	[sflag:s23] =	ssyncset.done $0x0  }
0xa4: {  	s25 =	simm.s32 $0x1B8E;
	s24 =	sld [smem:$0x3FFE];
	[sflag:s23] =	ssyncadd.s32 $0xFFFFFFFF  }
0xa5: {  	s26 =	simm.s32 $execute0_lowered;
	[smem:$0x3FD2] =	sst s25  }
0xa6: {  	s4 =	sshll.u32 s26, $0x1;
	_ =	strace $0x80000046;
	[dreg:$0x1] =	wrdreg $0xFFFFFFFF  }
0xa7: {  	s28 =	simm.s32 $_size_execute0_lowered;
	s2 =	sadd.s32 s2, s4;
	[dreg:$0x0] =	wrdreg $0x0  }
0xa8: {  	s4 =	sshll.u32 s28, $0x1;
	[dreg:$0x2] =	wrdreg s2  }
0xa9: {  	[dreg:$0x3] =	wrdreg s4  }
0xaa: {  	[dreg:$0x4] =	wrdreg $0xC0  }
0xab: {  	_ =	task [dreg:s6], $0x5FFFF  }
0xac: {  	[dreg:$0x1] =	wrdreg $0xFFFFFFFF  }
0xad: {  	[dreg:$0x0] =	wrdreg $0x60  }
0xae: {  	[dreg:$0x2] =	wrdreg s24  }
0xaf: {  	[dreg:$0x3] =	wrdreg $0x9  }
0xb0: {  	_ =	task.clear_ibuf [dreg:s6], $0x4FFFF;
	_ =	strace $0x90000046  }
0xb1: {  	s29 =	simm.s32 $0x9;
	_ =	strace $0x80000048  }
0xb2: {  	_ =	swait.ge [sflag:s29], $0x1  }
0xb3: {  	[sflag:s29] =	ssyncadd.s32 $0xFFFFFFFF  }
0xb4: {  	_ =	strace $0x90000048  }
0xb5: {  	_ =	sfence  }
0xb6: {  	s30 =	sld [smem:$0x0];
	_ =	sdelay $0x2  }
0xb7: {  	s31 =	sshll.u32 s1, $0xD;
	s1 =	sshrl.u32 s1, $0x2  }
0xb8: {  	s3 =	sand.u32 $0x4000, s31;
	s1 =	sadd.s32 s1, s30  }
0xb9: {  	s0 =	sor.u32 s3, s0;
	s1 =	sshll.u32 s1, $0x11  }
0xba: {  	s0 =	sor.u32 s1, s0  }
0xbb: {  	s0 =	sadd.s32 $0x8F2B, s0  }
0xbc: {  	[sflag:s0] =	ssyncadd.remote.s32 $0x1  }
0xbd: {  	_ =	sfence.sel $0xFFFF  }
0xbe: {  	[dreg:$0x0] =	wrdreg $0xFFFFFFFF;
	(pc) =	sbr.abs _section_cstart, $3  }
0xbf: {  	[dreg:$0x1] =	wrdreg $0xFFFFFFFF  }
0xc0: {  	_ =	task.clear_ibuf [dreg:s6], $0x2FFFF;
	_ =	strace $0x9FFFFFFF  }
0xc1: {  	(tm) =	ssettm $0x7FFFFFFF  }
tec
execute0_lowered:
.L_overlay_start_1:
0x0: {  	(tag) =	ssettag $0x1  }
0x1: {  	s3 =	rddreg [dreg:$0x0]  }
0x2: {  	s0 =	rddreg [dreg:$0x1];
	s2 =	simm.s32 $0x0;
	s4 =	srdreg.scid  }
0x3: {  	s1 =	stileid.u32;
	s10 =	simm.s32 $0x4000;
	s11 =	simm.s32 $0x6000  }
0x4: {  	s12 =	simm.s32 $0x1;
	s13 =	simm.s32 $0x6200;
	s14 =	simm.s32 $0x6280  }
0x5: {  	s15 =	simm.s32 $0x6300;
	s16 =	simm.s32 $0x2;
	s17 =	simm.s32 $0x0  }
0x6: {  	v48 =	vimm.s32 $0x1;
	[smem:$0x7FF] =	sst s2;
	s4 =	sand.u32 $0x1, s4;
	s5 =	sshll.u32 s1, $0x1  }
0x7: {  	v1 =	vimm.f32 $0.0e+00;
	vm0 =	vmmov $0x1;
	vm15 =	vmmov $0x3;
	s6 =	sadd.s32 $0x800, s3;
	s5 =	sor.u32 s4, s5;
	s4 =	ssub.s32 $0x2, s4  }
0x8: {  	vm2 =	vmmov $0x7;
	vm3 =	vmmov $0xf;
	vm4 =	vmmov $0x1f;
	_ =	strace $0x80000047;
	s7 =	sshll.u32 s5, $0x4;
	s30 =	sshrl.u32 s4, $0x1  }
0x9: {  	vm5 =	vmmov $0x3f;
	vm6 =	vmmov $0x7f;
	vm7 =	vmmov $0xff;
	s8 =	sshll.u32 s5, $0xA;
	s31 =	sshll.u32 s5, $0x6;
	s7 =	sadd.s32 s7, s3  }
0xa: {  	vm8 =	vmmov $0x1ff;
	vm14 =	vmmov $0x7fff;
	v0 =	vimm.s32 $0x0;
	s9 =	ssub.s32 s4, s30;
	s3 =	sadd.s32 s6, s8;
	s6 =	sadd.s32 s31, s6  }
0xb: {  	vm9 =	vmmov $0x3ff;
	vm10 =	vmmov $0x7ff;
	v0 =	vsel vm14, $0xFFFFFFFF, v0;
	s4 =	sadd.s32 $0x8000, s3;
	s5 =	sadd.s32 $0x10000, s3;
	s6 =	sadd.s32 $0x18000, s6  }
0xc: {  	vm11 =	vmmov $0xfff;
	vm12 =	vmmov $0x1fff;
	vm13 =	vmmov $0x3fff;
	[tilespmem:$0x1FFF0] =	vst v0;
	s7 =	sadd.s32 $0x19000, s7;
	s8 =	smax.u32 s9, $0x1;
	s9 =	simm.s32 $0x2000  }
.LBB2_1:
0xd: {  	[tilespmem:s2], [sflag:$0x1] =	stream.linear.gather [hbm4b:s3+s2], $0x2000, $0x38;
	[tilespmem:$0x6380] =	vst v63  }
0xe: {  	_ = 	snop  }
0xf: {  	[tilespmem:s9], [sflag:$0x1] =	stream.linear.gather [hbm4b:s4+s2], $0x2000, $0x38;
	[tilespmem:$0x6380] =	vst v63  }
0x10: {  	_ = 	snop  }
0x11: {  	[tilespmem:s10], [sflag:$0x1] =	stream.linear.gather [hbm4b:s5+s2], $0x2000, $0x38;
	[tilespmem:$0x6380] =	vst v63  }
0x12: {  	_ = 	snop  }
0x13: {  	[tilespmem:s11], [sflag:$0x1] =	stream.linear.gather [hbm4b:s6+s2], $0x200, $0x38;
	[tilespmem:$0x6380] =	vst v63  }
0x14: {  	_ =	swait.ge [sflag:s12], $0x2000  }
0x15: {  	[sflag:s12] =	ssyncset.done $0x0  }
0x16: {  	[sflag:s12] =	ssyncadd.s32 $0xFFFFE000  }
0x17: {  	_ =	swait.ge [sflag:s12], $0x2000  }
0x18: {  	[sflag:s12] =	ssyncset.done $0x0  }
0x19: {  	[sflag:s12] =	ssyncadd.s32 $0xFFFFE000  }
0x1a: {  	_ =	swait.ge [sflag:s12], $0x2000  }
0x1b: {  	[sflag:s12] =	ssyncset.done $0x0  }
0x1c: {  	[sflag:s12] =	ssyncadd.s32 $0xFFFFE000  }
0x1d: {  	_ =	swait.ge [sflag:s12], $0x200  }
0x1e: {  	[sflag:s12] =	ssyncset.done $0x0  }
0x1f: {  	[sflag:s12] =	ssyncadd.s32 $0xFFFFFE00  }
0x20: {  	[tilespmem:$0x6200] =	vst v1  }
0x21: {  	[tilespmem:$0x6280] =	vst v1  }
0x22: {  	[tilespmem:$0x6210] =	vst v1  }
0x23: {  	[tilespmem:$0x6290] =	vst v1  }
0x24: {  	[tilespmem:$0x6220] =	vst v1  }
0x25: {  	[tilespmem:$0x62A0] =	vst v1  }
0x26: {  	[tilespmem:$0x6230] =	vst v1  }
0x27: {  	[tilespmem:$0x62B0] =	vst v1  }
0x28: {  	[tilespmem:$0x6240] =	vst v1  }
0x29: {  	[tilespmem:$0x62C0] =	vst v1  }
0x2a: {  	[tilespmem:$0x6250] =	vst v1  }
0x2b: {  	[tilespmem:$0x62D0] =	vst v1  }
0x2c: {  	[tilespmem:$0x6260] =	vst v1  }
0x2d: {  	[tilespmem:$0x62E0] =	vst v1  }
0x2e: {  	v0 =	vimm.f32 $0.0e+00;
	[tilespmem:$0x6270] =	vst v1  }
0x2f: {  	s18 =	simm.s32 $0x0;
	s19 =	simm.s32 $0x0;
	v3 =	vimm.f32 $0.0e+00;
	v4 =	vimm.f32 $0.0e+00;
	v56 =	vimm.f32 $0.0e+00;
	[tilespmem:$0x62F0] =	vst v1  }
.LBB2_2:
0x30: {  	_ =	sdelay $0x2  }
0x31: {  	s20 =	sshra.s32 s19, $0x2  }
0x32: {  	[tilespmem:$0x1FFE0] =	vst v0;
	v0 =	vld [tilespmem:s20+$0x4000];
	_ =	sdelay $0x4  }
0x33: {  	v33 =	vld [tilespmem:s20+$0x0];
	v2 =	vand.u32 $0xFF, v0  }
0x34: {  	v44 =	vld [tilespmem:s20+$0x2000];
	v2 =	vmax.u32 v2, $0x1  }
0x35: {  	v36 =	vshra.s32 v0, $0x8;
	v0 =	vsub.s32 v2, v48  }
0x36: {  	[tilespmem:$0x1FFC0] =	vst v4;
	v4 =	vcvt.s32.f32 v36;
	_ =	sdelay $0x1  }
0x37: {  	v53 =	vmul.f32 v4, v33  }
0x38: {  	v14 =	vmul.f32 v4, v44  }
0x39: {  	[tilespmem:v0+s13+$0x0] =	vst.idx.add.f32.msk $0xffff, v53  }
0x3a: {  	[tilespmem:v0+s14+$0x0] =	vst.idx.add.f32.msk $0xffff, v14  }
0x3b: {  	v2 =	vld.idx.msk [tilespmem:v0+s13+$0x0], $0xffff  }
0x3c: {  	v20 =	vld.idx.msk [tilespmem:v0+s14+$0x0], $0xffff;
	[tilespmem:v0+s13+$0x0] =	vst.idx.msk $0xffff, v1  }
0x3d: {  	[tilespmem:v0+s14+$0x0] =	vst.idx.msk $0xffff, v1  }
0x3e: {  	v0 =	vld [tilespmem:s20+$0x4010];
	_ =	sdelay $0x4  }
0x3f: {  	v34 =	vld [tilespmem:s20+$0x10];
	[tilespmem:$0x1FD80] =	vst v2;
	v2 =	vand.u32 $0xFF, v0  }
0x40: {  	v35 =	vld [tilespmem:s20+$0x2010];
	v2 =	vmax.u32 v2, $0x1  }
0x41: {  	v41 =	vshra.s32 v0, $0x8;
	v2 =	vsub.s32 v2, v48  }
0x42: {  	v5 =	vcvt.s32.f32 v41;
	_ =	sdelay $0x1  }
0x43: {  	v0 =	vmul.f32 v5, v34  }
0x44: {  	v21 =	vmul.f32 v5, v35  }
0x45: {  	[tilespmem:v2+s13+$0x0] =	vst.idx.add.f32.msk $0xffff, v0  }
0x46: {  	[tilespmem:v2+s14+$0x0] =	vst.idx.add.f32.msk $0xffff, v21  }
0x47: {  	[tilespmem:$0x1FFD0] =	vst v3;
	v3 =	vld.idx.msk [tilespmem:v2+s13+$0x0], $0xffff  }
0x48: {  	v26 =	vld.idx.msk [tilespmem:v2+s14+$0x0], $0xffff;
	[tilespmem:v2+s13+$0x0] =	vst.idx.msk $0xffff, v1  }
0x49: {  	[tilespmem:v2+s14+$0x0] =	vst.idx.msk $0xffff, v1  }
0x4a: {  	v2 =	vld [tilespmem:s20+$0x4020];
	_ =	sdelay $0x4  }
0x4b: {  	v29 =	vld [tilespmem:s20+$0x20];
	[tilespmem:$0x1FD90] =	vst v3;
	v3 =	vand.u32 $0xFF, v2  }
0x4c: {  	v31 =	vld [tilespmem:s20+$0x2020];
	v3 =	vmax.u32 v3, $0x1  }
0x4d: {  	v38 =	vshra.s32 v2, $0x8;
	v2 =	vsub.s32 v3, v48  }
0x4e: {  	v19 =	vcvt.s32.f32 v38;
	_ =	sdelay $0x1  }
0x4f: {  	v12 =	vmul.f32 v19, v29  }
0x50: {  	v63 =	vmul.f32 v19, v31  }
0x51: {  	[tilespmem:v2+s13+$0x0] =	vst.idx.add.f32.msk $0xffff, v12  }
0x52: {  	[tilespmem:v2+s14+$0x0] =	vst.idx.add.f32.msk $0xffff, v63  }
0x53: {  	v3 =	vld.idx.msk [tilespmem:v2+s13+$0x0], $0xffff  }
0x54: {  	v16 =	vld.idx.msk [tilespmem:v2+s14+$0x0], $0xffff;
	[tilespmem:v2+s13+$0x0] =	vst.idx.msk $0xffff, v1  }
0x55: {  	[tilespmem:v2+s14+$0x0] =	vst.idx.msk $0xffff, v1  }
0x56: {  	v2 =	vld [tilespmem:s20+$0x4030];
	_ =	sdelay $0x4  }
0x57: {  	v55 =	vld [tilespmem:s20+$0x30];
	[tilespmem:$0x1FDA0] =	vst v3;
	v3 =	vand.u32 $0xFF, v2  }
0x58: {  	v6 =	vld [tilespmem:s20+$0x2030];
	v3 =	vmax.u32 v3, $0x1  }
0x59: {  	v27 =	vshra.s32 v2, $0x8;
	v2 =	vsub.s32 v3, v48  }
0x5a: {  	v7 =	vcvt.s32.f32 v27;
	_ =	sdelay $0x1  }
0x5b: {  	v50 =	vmul.f32 v7, v55  }
0x5c: {  	v9 =	vmul.f32 v7, v6  }
0x5d: {  	[tilespmem:v2+s13+$0x0] =	vst.idx.add.f32.msk $0xffff, v50  }
0x5e: {  	[tilespmem:v2+s14+$0x0] =	vst.idx.add.f32.msk $0xffff, v9  }
0x5f: {  	v3 =	vld.idx.msk [tilespmem:v2+s13+$0x0], $0xffff  }
0x60: {  	v10 =	vld.idx.msk [tilespmem:v2+s14+$0x0], $0xffff;
	[tilespmem:v2+s13+$0x0] =	vst.idx.msk $0xffff, v1  }
0x61: {  	[tilespmem:v2+s14+$0x0] =	vst.idx.msk $0xffff, v1  }
0x62: {  	v2 =	vld [tilespmem:s20+$0x4040];
	_ =	sdelay $0x4  }
0x63: {  	v11 =	vld [tilespmem:s20+$0x40];
	[tilespmem:$0x1FDB0] =	vst v3;
	v3 =	vand.u32 $0xFF, v2  }
0x64: {  	v13 =	vld [tilespmem:s20+$0x2040];
	v3 =	vmax.u32 v3, $0x1  }
0x65: {  	v40 =	vshra.s32 v2, $0x8;
	v2 =	vsub.s32 v3, v48  }
0x66: {  	v42 =	vcvt.s32.f32 v40;
	_ =	sdelay $0x1  }
0x67: {  	v22 =	vmul.f32 v42, v11  }
0x68: {  	v43 =	vmul.f32 v42, v13  }
0x69: {  	[tilespmem:v2+s13+$0x0] =	vst.idx.add.f32.msk $0xffff, v22  }
0x6a: {  	[tilespmem:v2+s14+$0x0] =	vst.idx.add.f32.msk $0xffff, v43  }
0x6b: {  	v3 =	vld.idx.msk [tilespmem:v2+s13+$0x0], $0xffff  }
0x6c: {  	v49 =	vld.idx.msk [tilespmem:v2+s14+$0x0], $0xffff;
	[tilespmem:v2+s13+$0x0] =	vst.idx.msk $0xffff, v1  }
0x6d: {  	[tilespmem:v2+s14+$0x0] =	vst.idx.msk $0xffff, v1  }
0x6e: {  	v2 =	vld [tilespmem:s20+$0x4050];
	_ =	sdelay $0x4  }
0x6f: {  	v39 =	vld [tilespmem:s20+$0x50];
	[tilespmem:$0x1FDC0] =	vst v3;
	v3 =	vand.u32 $0xFF, v2  }
0x70: {  	v58 =	vld [tilespmem:s20+$0x2050];
	v8 =	vmax.u32 v3, $0x1  }
0x71: {  	v3 =	vshra.s32 v2, $0x8;
	v2 =	vsub.s32 v8, v48  }
0x72: {  	v61 =	vcvt.s32.f32 v3;
	_ =	sdelay $0x1  }
0x73: {  	v59 =	vmul.f32 v61, v39  }
0x74: {  	v60 =	vmul.f32 v61, v58  }
0x75: {  	[tilespmem:v2+s13+$0x0] =	vst.idx.add.f32.msk $0xffff, v59  }
0x76: {  	[tilespmem:v2+s14+$0x0] =	vst.idx.add.f32.msk $0xffff, v60  }
0x77: {  	v8 =	vld.idx.msk [tilespmem:v2+s13+$0x0], $0xffff  }
0x78: {  	v62 =	vld.idx.msk [tilespmem:v2+s14+$0x0], $0xffff;
	[tilespmem:v2+s13+$0x0] =	vst.idx.msk $0xffff, v1  }
0x79: {  	[tilespmem:v2+s14+$0x0] =	vst.idx.msk $0xffff, v1  }
0x7a: {  	v2 =	vld [tilespmem:s20+$0x4060];
	_ =	sdelay $0x4  }
0x7b: {  	v15 =	vld [tilespmem:s20+$0x60];
	v24 =	vand.u32 $0xFF, v2  }
0x7c: {  	v57 =	vld [tilespmem:s20+$0x2060];
	[tilespmem:$0x1FDD0] =	vst v8;
	v8 =	vmax.u32 v24, $0x1  }
0x7d: {  	v18 =	vshra.s32 v2, $0x8;
	v8 =	vsub.s32 v8, v48  }
0x7e: {  	v47 =	vcvt.s32.f32 v18;
	_ =	sdelay $0x1  }
0x7f: {  	v45 =	vmul.f32 v47, v15  }
0x80: {  	v2 =	vmul.f32 v47, v57  }
0x81: {  	[tilespmem:v8+s13+$0x0] =	vst.idx.add.f32.msk $0xffff, v45  }
0x82: {  	[tilespmem:v8+s14+$0x0] =	vst.idx.add.f32.msk $0xffff, v2  }
0x83: {  	[tilespmem:$0x1FE10] =	vst v2;
	v2 =	vld.idx.msk [tilespmem:v8+s13+$0x0], $0xffff;
	_ =	sdelay $0x4  }
0x84: {  	[tilespmem:$0x1FDF0] =	vst v2  }
0x85: {  	v2 =	vld.idx.msk [tilespmem:v8+s14+$0x0], $0xffff;
	[tilespmem:v8+s13+$0x0] =	vst.idx.msk $0xffff, v1  }
0x86: {  	[tilespmem:v8+s14+$0x0] =	vst.idx.msk $0xffff, v1  }
0x87: {  	v8 =	vld [tilespmem:s20+$0x4070];
	_ =	sdelay $0x4  }
0x88: {  	[tilespmem:$0x1FDE0] =	vst v15;
	v17 =	vld [tilespmem:s20+$0x70];
	v25 =	vand.u32 $0xFF, v8  }
0x89: {  	v23 =	vld [tilespmem:s20+$0x2070];
	[tilespmem:$0x1FE00] =	vst v2;
	v2 =	vimm.s32 $0x1;
	v15 =	vmax.u32 v25, $0x1  }
0x8a: {  	v48 =	vshra.s32 v8, $0x8;
	v28 =	vsub.s32 v15, v2  }
0x8b: {  	v37 =	vcvt.s32.f32 v48;
	_ =	sdelay $0x1  }
0x8c: {  	v32 =	vmul.f32 v37, v17  }
0x8d: {  	v30 =	vmul.f32 v37, v23  }
0x8e: {  	[tilespmem:v28+s13+$0x0] =	vst.idx.add.f32.msk $0xffff, v32  }
0x8f: {  	[tilespmem:v28+s14+$0x0] =	vst.idx.add.f32.msk $0xffff, v30  }
0x90: {  	v15 =	vld.idx.msk [tilespmem:v28+s13+$0x0], $0xffff  }
0x91: {  	v46 =	vld.idx.msk [tilespmem:v28+s14+$0x0], $0xffff;
	[tilespmem:v28+s13+$0x0] =	vst.idx.msk $0xffff, v1  }
0x92: {  	[tilespmem:v28+s14+$0x0] =	vst.idx.msk $0xffff, v1  }
0x93: {  	v8 =	vld [tilespmem:s20+$0x4080];
	_ =	sdelay $0x4  }
0x94: {  	v51 =	vld [tilespmem:s20+$0x80];
	v52 =	vand.u32 $0xFF, v8  }
0x95: {  	v24 =	vld [tilespmem:s20+$0x2080];
	[tilespmem:$0x1FE40] =	vst v15;
	v15 =	vmax.u32 v52, $0x1  }
0x96: {  	v54 =	vshra.s32 v8, $0x8;
	v25 =	vsub.s32 v15, v2  }
0x97: {  	[tilespmem:$0x1FE30] =	vst v23;
	v23 =	vcvt.s32.f32 v54;
	_ =	sdelay $0x1  }
0x98: {  	[tilespmem:$0x1FE60] =	vst v30;
	v30 =	vmul.f32 v23, v51  }
0x99: {  	v28 =	vmul.f32 v23, v24  }
0x9a: {  	[tilespmem:v25+s13+$0x0] =	vst.idx.add.f32.msk $0xffff, v30  }
0x9b: {  	[tilespmem:v25+s14+$0x0] =	vst.idx.add.f32.msk $0xffff, v28  }
0x9c: {  	[tilespmem:$0x1FE50] =	vst v46;
	v15 =	vld.idx.msk [tilespmem:v25+s13+$0x0], $0xffff  }
0x9d: {  	v46 =	vld.idx.msk [tilespmem:v25+s14+$0x0], $0xffff;
	[tilespmem:v25+s13+$0x0] =	vst.idx.msk $0xffff, v1  }
0x9e: {  	[tilespmem:v25+s14+$0x0] =	vst.idx.msk $0xffff, v1  }
0x9f: {  	v8 =	vld [tilespmem:s20+$0x4090];
	_ =	sdelay $0x3  }
0xa0: {  	[tilespmem:$0x1FE70] =	vst v51  }
0xa1: {  	[tilespmem:$0x1FEA0] =	vst v54;
	v51 =	vld [tilespmem:s20+$0x90];
	v52 =	vand.u32 $0xFF, v8  }
0xa2: {  	v25 =	vld [tilespmem:s20+$0x2090];
	[tilespmem:$0x1FE90] =	vst v15;
	v15 =	vmax.u32 v52, $0x1  }
0xa3: {  	[tilespmem:$0x1FEC0] =	vst v28;
	v54 =	vshra.s32 v8, $0x8;
	v28 =	vsub.s32 v15, v2  }
0xa4: {  	v15 =	vcvt.s32.f32 v54  }
0xa5: {  	[tilespmem:$0x1FE20] =	vst v17  }
0xa6: {  	[tilespmem:$0x1FE80] =	vst v24;
	v24 =	vmul.f32 v15, v51  }
0xa7: {  	[tilespmem:$0x1FEB0] =	vst v46;
	v46 =	vmul.f32 v15, v25  }
0xa8: {  	[tilespmem:v28+s13+$0x0] =	vst.idx.add.f32.msk $0xffff, v24  }
0xa9: {  	[tilespmem:v28+s14+$0x0] =	vst.idx.add.f32.msk $0xffff, v46  }
0xaa: {  	[tilespmem:$0x1FF20] =	vst v51;
	v17 =	vld.idx.msk [tilespmem:v28+s13+$0x0], $0xffff  }
0xab: {  	v51 =	vld.idx.msk [tilespmem:v28+s14+$0x0], $0xffff;
	[tilespmem:v28+s13+$0x0] =	vst.idx.msk $0xffff, v1  }
0xac: {  	[tilespmem:v28+s14+$0x0] =	vst.idx.msk $0xffff, v1  }
0xad: {  	v8 =	vld [tilespmem:s20+$0x40A0];
	_ =	sdelay $0x4  }
0xae: {  	[tilespmem:$0x1FF30] =	vst v25;
	v28 =	vld [tilespmem:s20+$0xA0];
	v52 =	vand.u32 $0xFF, v8  }
0xaf: {  	[tilespmem:$0x1FF00] =	vst v46;
	v46 =	vld [tilespmem:s20+$0x20A0];
	v25 =	vmax.u32 v52, $0x1  }
0xb0: {  	[tilespmem:$0x1FEE0] =	vst v54;
	v8 =	vshra.s32 v8, $0x8;
	v54 =	vsub.s32 v25, v2  }
0xb1: {  	vm14 =	vmmov vm13;
	vm13 =	vmmov vm12;
	[tilespmem:$0x1FF70] =	vst v8;
	v8 =	vcvt.s32.f32 v8  }
0xb2: {  	vm12 =	vmmov vm11;
	vm11 =	vmmov vm10;
	vm10 =	vmmov vm9  }
0xb3: {  	vm9 =	vmmov vm8;
	vm8 =	vmmov vm7;
	[tilespmem:$0x1FEF0] =	vst v51;
	v25 =	vmul.f32 v8, v28  }
0xb4: {  	vm7 =	vmmov vm6;
	vm6 =	vmmov vm5;
	[tilespmem:$0x1FF90] =	vst v46;
	v52 =	vld [tilespmem:$0x1FFF0];
	v46 =	vmul.f32 v8, v46  }
0xb5: {  	vm5 =	vmmov vm4;
	vm4 =	vmmov vm0;
	vm0 =	vmmov vm3;
	[tilespmem:v54+s13+$0x0] =	vst.idx.add.f32.msk $0xffff, v25  }
0xb6: {  	vm3 =	vmmov vm2;
	vm2 =	vmmov vm15;
	vm15 =	vne.s32 v36, $0x0;
	[tilespmem:v54+s14+$0x0] =	vst.idx.add.f32.msk $0xffff, v46  }
0xb7: {  	v36 =	vmpcnt.ones.xlane vm15;
	[tilespmem:$0x1FF80] =	vst v28;
	v28 =	vld.idx.msk [tilespmem:v54+s13+$0x0], $0xffff  }
0xb8: {  	vm15 =	vmmov vm2;
	vm2 =	vmmov vm3;
	vm3 =	vmmov vm0;
	v51 =	vld.idx.msk [tilespmem:v54+s14+$0x0], $0xffff;
	[tilespmem:v54+s13+$0x0] =	vst.idx.msk $0xffff, v1  }
0xb9: {  	vm0 =	vmmov vm4;
	vm4 =	vmmov vm5;
	vm5 =	vmmov vm6;
	[tilespmem:v54+s14+$0x0] =	vst.idx.msk $0xffff, v1  }
0xba: {  	vm6 =	vmmov vm7;
	vm7 =	vmmov vm8;
	vm8 =	vmmov vm9;
	[tilespmem:$0x1FED0] =	vst v17;
	v17 =	vld [tilespmem:s20+$0x40B0]  }
0xbb: {  	vm9 =	vmmov vm10;
	vm10 =	vmmov vm11;
	vm11 =	vmmov vm12  }
0xbc: {  	vm12 =	vmmov vm13;
	vm13 =	vmmov vm14;
	vm1 =	vne.s32 v41, $0x0  }
0xbd: {  	v36 =	vcvt.s32.f32 v36;
	v41 =	vmpcnt.ones.xlane vm1;
	vm14 =	vnez.u8 v52;
	v52 =	vld [tilespmem:s20+$0xB0]  }
0xbe: {  	v44 =	vsub.f32 v33, v44;
	[tilespmem:$0x1FF40] =	vst v51;
	v51 =	vld [tilespmem:s20+$0x20B0]  }
0xbf: {  	v41 =	vcvt.s32.f32 v41;
	[tilespmem:$0x1FF50] =	vst v46;
	v46 =	vmax.f32 v36, $1.000000000e+00;
	v54 =	vand.u32 $0xFF, v17  }
0xc0: {  	(erf) = vrcp.f32 v46;
	[tilespmem:$0x1FF10] =	vst v28;
	v28 =	vmax.u32 v54, $0x1;
	v54 =	vshra.s32 v17, $0x8  }
0xc1: {  	v17 =	vsub.s32 v28, v2;
	v28 =	vmax.f32 v41, $1.000000000e+00;
	v46 =	vcvt.s32.f32 v54  }
0xc2: {  	(erf) = vrcp.f32 v28;
	v28 =	vsub.f32 v34, v35;
	v34 =	vmul.f32 v44, v44  }
0xc3: {  	[tilespmem:$0x1FFA0] =	vst v52;
	v33 =	vmul.f32 v46, v52;
	v44 =	vmul.f32 v46, v51;
	v52 =	vmov v51;
	v51 =	vld [tilespmem:$0x1FD80];
	_ =	sdelay $0x2  }
0xc4: {  	vm1 =	vne.s32 v38, $0x0;
	v38 =	vld [tilespmem:$0x1FD90]  }
0xc5: {  	[tilespmem:v17+s13+$0x0] =	vst.idx.add.f32.msk $0xffff, v33  }
0xc6: {  	v14 =	vmul.f32 v20, v14;
	[tilespmem:v17+s14+$0x0] =	vst.idx.add.f32.msk $0xffff, v44;
	v35 =	vmul.f32 v51, v53  }
0xc7: {  	v20 =	vmul.f32 v20, v53;
	v29 =	vsub.f32 v29, v31;
	v4 =	vmul.f32 v4, v34;
	v53 =	vld.idx.msk [tilespmem:v17+s14+$0x0], $0xffff  }
0xc8: {  	v21 =	vmul.f32 v26, v21;
	v31 =	vpop (erf);
	(xrf2) =	vadd.scan.msk.f32 $0xffff, v35;
	v35 =	vld.idx.msk [tilespmem:v17+s13+$0x0], $0xffff;
	[tilespmem:v17+s13+$0x0] =	vst.idx.msk $0xffff, v1  }
0xc9: {  	(xrf2) =	vadd.scan.msk.f32 $0xffff, v14;
	[tilespmem:v17+s14+$0x0] =	vst.idx.msk $0xffff, v1;
	v17 =	vmul.f32 v31, v4;
	v4 =	vmul.f32 v29, v29  }
0xca: {  	[tilespmem:$0x1FFB0] =	vst v46;
	v46 =	vmpcnt.ones.xlane vm1;
	v14 =	vmul.f32 v38, v0;
	(xrf2) =	vadd.scan.msk.f32 $0xffff, v20  }
0xcb: {  	v28 =	vmul.f32 v28, v28;
	v19 =	vmul.f32 v19, v4;
	v4 =	vld [tilespmem:$0x1FDA0]  }
0xcc: {  	vm1 =	vne.s32 v27, $0x0;
	v0 =	vmul.f32 v26, v0;
	(xrf2) =	vadd.scan.msk.f32 $0xffff, v14;
	v14 =	vcvt.s32.f32 v46  }
0xcd: {  	v38 =	vmpcnt.ones.xlane vm1;
	(xrf2) =	vadd.scan.msk.f32 $0xffff, v21  }
0xce: {  	v5 =	vmul.f32 v5, v28;
	[tilespmem:$0x1FF60] =	vst v35;
	v35 =	vld [tilespmem:s20+$0x40C0];
	(xrf2) =	vadd.scan.msk.f32 $0xffff, v0;
	v0 =	vmax.f32 v14, $1.000000000e+00  }
0xcf: {  	vm1 =	vne.s32 v40, $0x0;
	v20 =	vcvt.s32.f32 v38;
	(erf) = vrcp.f32 v0  }
0xd0: {  	v34 =	vpop (erf);
	v0 =	vmpcnt.ones.xlane vm1;
	v40 =	vmul.f32 v4, v12  }
0xd1: {  	v6 =	vsub.f32 v55, v6;
	v5 =	vmul.f32 v34, v5  }
0xd2: {  	v46 =	vmul.f32 v16, v63;
	v4 =	vcvt.s32.f32 v0;
	v0 =	vmax.f32 v20, $1.000000000e+00;
	v34, _, _ =	vpop (xrf2)  }
0xd3: {  	v31 =	vld [tilespmem:s20+$0xC0];
	v12 =	vmul.f32 v16, v12;
	v63 =	vand.u32 $0xFF, v35;
	(xrf2) =	vadd.scan.msk.f32 $0xffff, v40;
	v16 =	vshra.s32 v35, $0x8;
	v35, _, _ =	vpop (xrf2)  }
0xd4: {  	v51 =	vld [tilespmem:s20+$0x20C0];
	(erf) = vrcp.f32 v0;
	v0 =	vmax.u32 v63, $0x1;
	(xrf2) =	vadd.scan.msk.f32 $0xffff, v46;
	v40, _, _ =	vpop (xrf2)  }
0xd5: {  	v0 =	vsub.s32 v0, v2;
	(xrf2) =	vadd.scan.msk.f32 $0xffff, v12;
	v27 =	vbroadcast v40, $0xF;
	v40 =	vmul.f32 v6, v6;
	v6 =	vld [tilespmem:$0x1FDB0]  }
0xd6: {  	v12 =	vcvt.s32.f32 v16  }
0xd7: {  	v17 =	vadd.f32 v17, v56;
	v26 =	vbroadcast v34, $0xF  }
0xd8: {  	v21 =	vbroadcast v35, $0xF;
	v46, _, _ =	vpop (xrf2);
	v63 =	vmul.f32 v12, v31  }
0xd9: {  	v5 =	vadd.f32 v5, v17;
	v34, _, _ =	vpop (xrf2);
	v28 =	vbroadcast v46, $0xF;
	v55 =	vmul.f32 v12, v51  }
0xda: {  	v38 =	vmax.f32 v4, $1.000000000e+00;
	v35, _, _ =	vpop (xrf2);
	v17 =	vbroadcast v34, $0xF;
	[tilespmem:v0+s13+$0x0] =	vst.idx.add.f32.msk $0xffff, v63;
	v46 =	vmul.f32 v6, v50  }
0xdb: {  	(erf) = vrcp.f32 v38;
	v38 =	vbroadcast v35, $0xF;
	[tilespmem:v0+s14+$0x0] =	vst.idx.add.f32.msk $0xffff, v55  }
0xdc: {  	v11 =	vsub.f32 v11, v13;
	v17 =	vsel vm0, v21, v17;
	v6 =	vld.idx.msk [tilespmem:v0+s13+$0x0], $0xffff  }
0xdd: {  	v21 =	vsel vm0, v27, v38;
	v38 =	vmul.f32 v7, v40;
	v7 =	vld.idx.msk [tilespmem:v0+s14+$0x0], $0xffff;
	[tilespmem:v0+s13+$0x0] =	vst.idx.msk $0xffff, v1;
	v40, _, _ =	vpop (xrf2)  }
0xde: {  	v9 =	vmul.f32 v10, v9;
	(xrf2) =	vadd.scan.msk.f32 $0xffff, v46;
	[tilespmem:v0+s14+$0x0] =	vst.idx.msk $0xffff, v1;
	v0 =	vbroadcast v40, $0xF;
	v40 =	vld [tilespmem:$0x1FDC0];
	v46, _, _ =	vpop (xrf2)  }
0xdf: {  	v10 =	vmul.f32 v10, v50;
	v11 =	vmul.f32 v11, v11;
	vm1 =	vne.s32 v3, $0x0;
	v50, _, _ =	vpop (xrf2)  }
0xe0: {  	v56 =	vmov v31;
	v34 =	vmpcnt.ones.xlane vm1;
	v29 =	vld [tilespmem:s20+$0x40D0];
	v31 =	vbroadcast v50, $0xF  }
0xe1: {  	v39 =	vsub.f32 v39, v58;
	v26 =	vsel vm0, v26, v28;
	v3 =	vbroadcast v46, $0xF  }
0xe2: {  	v28 =	vsel vm0, v36, v41;
	(xrf2) =	vadd.scan.msk.f32 $0xffff, v9;
	v9 =	vsel vm15, v21, v31;
	v21 =	vcvt.s32.f32 v34  }
0xe3: {  	v35 =	vpop (erf);
	v41 =	vmul.f32 v49, v43;
	(xrf2) =	vadd.scan.msk.f32 $0xffff, v10;
	v3 =	vsel vm15, v17, v3;
	v17 =	vmul.f32 v40, v22  }
0xe4: {  	v19 =	vmul.f32 v35, v19;
	v35 =	vmul.f32 v42, v11;
	v36 =	vpop (erf);
	v42 =	vmax.f32 v21, $1.000000000e+00  }
0xe5: {  	v11 =	vmul.f32 v36, v38;
	v38 =	vpop (erf);
	v43 =	vand.u32 $0xFF, v29;
	(xrf2) =	vadd.scan.msk.f32 $0xffff, v17;
	(erf) = vrcp.f32 v42  }
0xe6: {  	v13 =	vmul.f32 v39, v39;
	v46 =	vld [tilespmem:s20+$0xD0];
	v50 =	vmax.u32 v43, $0x1  }
0xe7: {  	v0 =	vsel vm15, v26, v0;
	v26 =	vsub.s32 v50, v2;
	v2 =	vld [tilespmem:$0x1FDD0];
	(xrf2) =	vadd.scan.msk.f32 $0xffff, v41  }
0xe8: {  	v61 =	vmul.f32 v61, v13  }
0xe9: {  	v49 =	vmul.f32 v49, v22;
	v5 =	vadd.f32 v19, v5;
	v43 =	vshra.s32 v29, $0x8;
	v58, _, _ =	vpop (xrf2)  }
0xea: {  	v22 =	vld [tilespmem:s20+$0x20D0];
	v17 =	vcvt.s32.f32 v43;
	v19 =	vbroadcast v58, $0xF  }
0xeb: {  	vm1 =	vne.s32 v18, $0x0;
	v14 =	vsel vm15, v28, v14;
	v11 =	vadd.f32 v11, v5  }
0xec: {  	v42 =	vld [tilespmem:$0x1FDE0];
	v5 =	vmul.f32 v2, v59;
	v28 =	vsel vm2, v0, v19;
	v0 =	vmul.f32 v17, v46;
	v2, _, _ =	vpop (xrf2)  }
0xed: {  	v36 =	vmpcnt.ones.xlane vm1;
	v10 =	vmul.f32 v38, v35;
	v58 =	vld [tilespmem:$0x1FDF0];
	v35, _, _ =	vpop (xrf2)  }
0xee: {  	v31 =	vmul.f32 v62, v60;
	v34 =	vmul.f32 v62, v59;
	(xrf2) =	vadd.scan.msk.f32 $0xffff, v49;
	[tilespmem:v26+s13+$0x0] =	vst.idx.add.f32.msk $0xffff, v0;
	v39 =	vpop (erf)  }
0xef: {  	v14 =	vsel vm2, v14, v20;
	(xrf2) =	vadd.scan.msk.f32 $0xffff, v5;
	v5 =	vmul.f32 v17, v22;
	v40, _, _ =	vpop (xrf2);
	v20 =	vmul.f32 v39, v61;
	v39 =	vld [tilespmem:$0x1FE00]  }
0xf0: {  	vm1 =	vne.s32 v48, $0x0;
	v2 =	vbroadcast v2, $0xF;
	v50 =	vbroadcast v40, $0xF;
	v40 =	vld [tilespmem:$0x1FE10]  }
0xf1: {  	v49 =	vsub.f32 v42, v57;
	v13 =	vbroadcast v35, $0xF;
	(xrf2) =	vadd.scan.msk.f32 $0xffff, v31;
	[tilespmem:v26+s14+$0x0] =	vst.idx.add.f32.msk $0xffff, v5;
	v57, _, _ =	vpop (xrf2)  }
0xf2: {  	v2 =	vsel vm2, v3, v2;
	v59 =	vmul.f32 v58, v45;
	(xrf2) =	vadd.scan.msk.f32 $0xffff, v34;
	v19 =	vld.idx.msk [tilespmem:v26+s13+$0x0], $0xffff;
	v27 =	vbroadcast v57, $0xF  }
0xf3: {  	v38 =	vmpcnt.ones.xlane vm1;
	v3 =	vcvt.s32.f32 v36;
	v9 =	vsel vm2, v9, v13;
	v13 =	vld.idx.msk [tilespmem:v26+s14+$0x0], $0xffff;
	[tilespmem:v26+s13+$0x0] =	vst.idx.msk $0xffff, v1  }
0xf4: {  	v36 =	vld [tilespmem:$0x1FEC0];
	(xrf2) =	vadd.scan.msk.f32 $0xffff, v59;
	[tilespmem:v26+s14+$0x0] =	vst.idx.msk $0xffff, v1;
	v27 =	vsel vm3, v2, v27;
	v2 =	vmul.f32 v49, v49  }
0xf5: {  	v10 =	vadd.f32 v10, v11;
	v11 =	vcvt.s32.f32 v38;
	v62 =	vld [tilespmem:s20+$0x40E0];
	v29 =	vmul.f32 v39, v40  }
0xf6: {  	v41 =	vmax.f32 v3, $1.000000000e+00;
	v57 =	vld [tilespmem:$0x1FE30];
	v42 =	vmul.f32 v47, v2;
	v2 =	vmul.f32 v39, v45  }
0xf7: {  	(erf) = vrcp.f32 v41;
	v61 =	vmax.f32 v11, $1.000000000e+00;
	v26 =	vsel vm3, v28, v50;
	v50 =	vld [tilespmem:$0x1FE20];
	(xrf2) =	vadd.scan.msk.f32 $0xffff, v29  }
0xf8: {  	v60, _, _ =	vpop (xrf2);
	(erf) = vrcp.f32 v61;
	(xrf2) =	vadd.scan.msk.f32 $0xffff, v2;
	v2 =	vld [tilespmem:$0x1FE40]  }
0xf9: {  	v49 =	vld [tilespmem:s20+$0x20E0]  }
0xfa: {  	v38 =	vbroadcast v60, $0xF;
	v47 =	vld [tilespmem:s20+$0xE0];
	v41, _, _ =	vpop (xrf2);
	v60 =	vand.u32 $0xFF, v62  }
0xfb: {  	v4 =	vsel vm3, v14, v4;
	v48 =	vimm.s32 $0x1;
	v39 =	vld [tilespmem:$0x1FE60];
	v58, _, _ =	vpop (xrf2);
	v34 =	vmax.u32 v60, $0x1  }
0xfc: {  	v28 =	vsub.f32 v50, v57;
	v50 =	vld [tilespmem:$0x1FE70];
	v29 =	vbroadcast v58, $0xF;
	v59, _, _ =	vpop (xrf2);
	v34 =	vsub.s32 v34, v48  }
0xfd: {  	v57 =	vld [tilespmem:$0x1FE80];
	v31 =	vbroadcast v59, $0xF;
	v61 =	vmul.f32 v2, v32;
	v2 =	vshra.s32 v62, $0x8  }
0xfe: {  	v4 =	vsel vm4, v4, v21;
	v28 =	vmul.f32 v28, v28;
	v58, _, _ =	vpop (xrf2);
	v62 =	vld [tilespmem:$0x1FE50];
	v45 =	vcvt.s32.f32 v2  }
0xff: {  	v9 =	vsel vm3, v9, v38;
	v59 =	vld [tilespmem:$0x1FE90];
	v27 =	vsel vm4, v27, v29;
	v29 =	vbroadcast v58, $0xF  }
0x100: {  	v40 =	vpop (erf);
	v58 =	vld [tilespmem:$0x1FF00];
	v28 =	vmul.f32 v37, v28;
	v9 =	vsel vm4, v9, v31;
	v31 =	vmul.f32 v45, v47  }
0x101: {  	v10 =	vadd.f32 v20, v10;
	v14 =	vbroadcast v41, $0xF;
	v20 =	vmul.f32 v40, v42;
	v42 =	vpop (erf);
	(xrf2) =	vadd.scan.msk.f32 $0xffff, v61;
	v61 =	vld [tilespmem:$0x1FEA0]  }
0x102: {  	v21 =	vmul.f32 v42, v28;
	v28 =	vmul.f32 v45, v49;
	[tilespmem:v34+s13+$0x0] =	vst.idx.add.f32.msk $0xffff, v31  }
0x103: {  	v14 =	vsel vm4, v26, v14;
	v26 =	vmul.f32 v62, v39;
	v41 =	vmul.f32 v62, v32;
	v62 =	vld [tilespmem:$0x1FEB0]  }
0x104: {  	[tilespmem:v34+s14+$0x0] =	vst.idx.add.f32.msk $0xffff, v28  }
0x105: {  	v32 =	vld.idx.msk [tilespmem:v34+s13+$0x0], $0xffff  }
0x106: {  	(xrf2) =	vadd.scan.msk.f32 $0xffff, v26;
	v26 =	vsub.f32 v50, v57;
	v50 =	vld [tilespmem:$0x1FEE0]  }
0x107: {  	v57 =	vld [tilespmem:$0x1FEF0]  }
0x108: {  	v37, _, _ =	vpop (xrf2);
	(xrf2) =	vadd.scan.msk.f32 $0xffff, v41;
	v41 =	vld [tilespmem:$0x1FED0];
	v35 =	vmul.f32 v62, v36  }
0x109: {  	v36 =	vadd.f32 v20, v10;
	v10 =	vbroadcast v37, $0xF;
	v37 =	vsel vm5, v4, v3;
	v3 =	vld [tilespmem:$0x1FF20]  }
0x10a: {  	v60 =	vmul.f32 v59, v30;
	vm1 =	vne.s32 v61, $0x0;
	v39 =	vmul.f32 v26, v26;
	v4 =	vld [tilespmem:$0x1FF30]  }
0x10b: {  	v19 =	vmul.f32 v19, v0;
	v38 =	vmpcnt.ones.xlane vm1;
	v26 =	vld.idx.msk [tilespmem:v34+s14+$0x0], $0xffff;
	[tilespmem:v34+s13+$0x0] =	vst.idx.msk $0xffff, v1  }
0x10c: {  	(xrf2) =	vadd.scan.msk.f32 $0xffff, v60;
	v30 =	vmul.f32 v62, v30;
	[tilespmem:v34+s14+$0x0] =	vst.idx.msk $0xffff, v1;
	v23 =	vmul.f32 v23, v39  }
0x10d: {  	(xrf2) =	vadd.scan.msk.f32 $0xffff, v35;
	v35 =	vcvt.s32.f32 v38;
	vm1 =	vne.s32 v50, $0x0;
	v34 =	vmul.f32 v57, v58;
	v50 =	vld [tilespmem:$0x1FF40]  }
0x10e: {  	v61 =	vmul.f32 v57, v24;
	v42 =	vmul.f32 v41, v24;
	v41 =	vld [tilespmem:$0x1FF10]  }
0x10f: {  	v40, _, _ =	vpop (xrf2);
	v57 =	vld [tilespmem:$0x1FF50];
	(xrf2) =	vadd.scan.msk.f32 $0xffff, v30;
	v60 =	vmpcnt.ones.xlane vm1;
	v59 =	vmax.f32 v35, $1.000000000e+00;
	v4 =	vsub.f32 v3, v4  }
0x110: {  	v20 =	vld [tilespmem:s20+$0x40F0];
	v30 =	vbroadcast v40, $0xF;
	(erf) = vrcp.f32 v59  }
0x111: {  	v29 =	vsel vm5, v14, v29;
	v62, _, _ =	vpop (xrf2);
	(xrf2) =	vadd.scan.msk.f32 $0xffff, v42;
	v14 =	vcvt.s32.f32 v60;
	v60 =	vmul.f32 v4, v4;
	v4 =	vld [tilespmem:$0x1FF60]  }
0x112: {  	v24 =	vbroadcast v62, $0xF;
	v62 =	vmul.f32 v53, v44;
	(xrf2) =	vadd.scan.msk.f32 $0xffff, v34  }
0x113: {  	v44 =	vld [tilespmem:$0x1FF70];
	(xrf2) =	vadd.scan.msk.f32 $0xffff, v61;
	v42 =	vmul.f32 v41, v25;
	v25 =	vmul.f32 v50, v25  }
0x114: {  	v30 =	vsel vm5, v9, v30;
	v3 =	vmax.f32 v14, $1.000000000e+00;
	v9 =	vmul.f32 v50, v57  }
0x115: {  	v27 =	vsel vm5, v27, v10;
	v58 =	vand.u32 $0xFF, v20;
	v40, _, _ =	vpop (xrf2);
	(erf) = vrcp.f32 v3;
	v3 =	vld [tilespmem:s20+$0xF0];
	(xrf2) =	vadd.scan.msk.f32 $0xffff, v42  }
0x116: {  	v10 =	vld [tilespmem:s20+$0x20F0];
	v20 =	vshra.s32 v20, $0x8;
	v59, _, _ =	vpop (xrf2);
	(xrf2) =	vadd.scan.msk.f32 $0xffff, v9;
	v61 =	vmul.f32 v4, v33;
	v4 =	vmax.u32 v58, $0x1  }
0x117: {  	v57 =	vmul.f32 v7, v55;
	v38 =	vbroadcast v40, $0xF;
	(xrf2) =	vadd.scan.msk.f32 $0xffff, v25;
	v25, _, _ =	vpop (xrf2);
	v4 =	vsub.s32 v4, v48  }
0x118: {  	vm1 =	vne.s32 v44, $0x0;
	v9 =	vcvt.s32.f32 v20;
	v33 =	vmul.f32 v53, v33;
	v41, _, _ =	vpop (xrf2);
	(xrf2) =	vadd.scan.msk.f32 $0xffff, v61  }
0x119: {  	v11 =	vsel vm6, v37, v11;
	v50 =	vmpcnt.ones.xlane vm1;
	v53 =	vmul.f32 v6, v63;
	v34, _, _ =	vpop (xrf2);
	(xrf2) =	vadd.scan.msk.f32 $0xffff, v62  }
0x11a: {  	v36 =	vadd.f32 v21, v36;
	v39 =	vbroadcast v59, $0xF;
	v6 =	vmul.f32 v9, v3;
	v59 =	vpop (erf);
	(xrf2) =	vadd.scan.msk.f32 $0xffff, v33  }
0x11b: {  	v37 =	vld [tilespmem:$0x1FF90];
	v24 =	vsel vm6, v29, v24;
	v21 =	vcvt.s32.f32 v50;
	v58 =	vmul.f32 v9, v10;
	v29, _, _ =	vpop (xrf2);
	(xrf2) =	vadd.scan.msk.f32 $0xffff, v53  }
0x11c: {  	v7 =	vmul.f32 v7, v63;
	v27 =	vsel vm6, v27, v38;
	v38, _, _ =	vpop (xrf2);
	(xrf2) =	vadd.scan.msk.f32 $0xffff, v57;
	[tilespmem:v4+s13+$0x0] =	vst.idx.add.f32.msk $0xffff, v6  }
0x11d: {  	v5 =	vmul.f32 v13, v5;
	v15 =	vmul.f32 v15, v60;
	v60 =	vmax.f32 v21, $1.000000000e+00;
	v40, _, _ =	vpop (xrf2);
	[tilespmem:v4+s14+$0x0] =	vst.idx.add.f32.msk $0xffff, v58  }
0x11e: {  	(erf) = vrcp.f32 v60;
	v23 =	vmul.f32 v59, v23;
	v62 =	vpop (erf);
	(xrf2) =	vadd.scan.msk.f32 $0xffff, v7;
	v7 =	vld.idx.msk [tilespmem:v4+s13+$0x0], $0xffff  }
0x11f: {  	v0 =	vmul.f32 v13, v0;
	v11 =	vsel vm7, v11, v35;
	vm1 =	vne.s32 v54, $0x0;
	v61, _, _ =	vpop (xrf2);
	(xrf2) =	vadd.scan.msk.f32 $0xffff, v19;
	v13 =	vld.idx.msk [tilespmem:v4+s14+$0x0], $0xffff  }
0x120: {  	v35 =	vmpcnt.ones.xlane vm1;
	v23 =	vadd.f32 v23, v36;
	v36 =	vld [tilespmem:$0x1FF80];
	v19, _, _ =	vpop (xrf2);
	(xrf2) =	vadd.scan.msk.f32 $0xffff, v5;
	v5 =	vmul.f32 v32, v31  }
0x121: {  	v63 =	vmul.f32 v26, v28;
	v3 =	vsub.f32 v3, v10;
	v50 =	vbroadcast v41, $0xF;
	v32, _, _ =	vpop (xrf2);
	(xrf2) =	vadd.scan.msk.f32 $0xffff, v0  }
0x122: {  	v55 =	vbroadcast v34, $0xF;
	v44, _, _ =	vpop (xrf2);
	(xrf2) =	vadd.scan.msk.f32 $0xffff, v5;
	v5 =	vmul.f32 v26, v31  }
0x123: {  	vm1 =	vne.s32 v16, $0x0;
	v3 =	vmul.f32 v3, v3;
	v53, _, _ =	vpop (xrf2);
	(xrf2) =	vadd.scan.msk.f32 $0xffff, v63;
	v7 =	vmul.f32 v7, v6  }
0x124: {  	v59 =	vbroadcast v38, $0xF;
	v26 =	vsel vm7, v27, v50;
	v57 =	vmul.f32 v13, v58;
	v27, _, _ =	vpop (xrf2);
	(xrf2) =	vadd.scan.msk.f32 $0xffff, v5  }
0x125: {  	v15 =	vmul.f32 v62, v15;
	v0 =	vbroadcast v25, $0xF;
	v28 =	vsub.f32 v36, v37;
	v58, _, _ =	vpop (xrf2);
	(xrf2) =	vadd.scan.msk.f32 $0xffff, v7  }
0x126: {  	v30 =	vsel vm6, v30, v39;
	v61 =	vbroadcast v61, $0xF;
	v7 =	vbroadcast v29, $0xF;
	v60, _, _ =	vpop (xrf2);
	(xrf2) =	vadd.scan.msk.f32 $0xffff, v57  }
0x127: {  	v19 =	vbroadcast v19, $0xF;
	v62 =	vpop (erf);
	v0 =	vsel vm7, v24, v0;
	v5 =	vmul.f32 v28, v28  }
0x128: {  	v33 =	vbroadcast v44, $0xF;
	v0 =	vsel vm8, v0, v7;
	v7 =	vsel vm8, v26, v59;
	v26, _, _ =	vpop (xrf2)  }
0x129: {  	v15 =	vadd.f32 v15, v23;
	v24 =	vbroadcast v53, $0xF;
	v5 =	vmul.f32 v8, v5;
	v63, _, _ =	vpop (xrf2)  }
0x12a: {  	v25 =	vsel vm7, v30, v55;
	v30 =	vbroadcast v58, $0xF;
	v8 =	vbroadcast v60, $0xF;
	v34, _, _ =	vpop (xrf2)  }
0x12b: {  	v0 =	vsel vm9, v0, v61;
	v7 =	vsel vm9, v7, v19;
	v19 =	vcvt.s32.f32 v35;
	v31, _, _ =	vpop (xrf2)  }
0x12c: {  	v0 =	vsel vm10, v0, v33;
	v7 =	vsel vm10, v7, v24;
	v23 =	vbroadcast v63, $0xF;
	v36, _, _ =	vpop (xrf2)  }
0x12d: {  	v0 =	vsel vm11, v0, v30;
	v7 =	vsel vm11, v7, v8;
	v38 =	vbroadcast v34, $0xF;
	v37, _, _ =	vpop (xrf2)  }
0x12e: {  	v44 =	vmax.f32 v19, $1.000000000e+00;
	v39 =	vbroadcast v36, $0xF;
	v16, _, _ =	vpop (xrf2);
	v41 =	vbroadcast v37, $0xF  }
0x12f: {  	v55 =	vld [tilespmem:$0x1FFA0];
	v0 =	vsel vm12, v0, v23;
	(erf) = vrcp.f32 v44;
	v7 =	vsel vm12, v7, v38;
	v42, _, _ =	vpop (xrf2)  }
0x130: {  	v50 =	vmpcnt.ones.xlane vm1;
	v0 =	vsel vm13, v0, v39;
	v7 =	vsel vm13, v7, v41;
	v53, _, _ =	vpop (xrf2)  }
0x131: {  	vm1 =	vne.s32 v43, $0x0;
	v0 =	vsel vm14, v0, v42;
	v7 =	vsel vm14, v7, v53  }
0x132: {  	v54 =	vcvt.s32.f32 v50;
	v57 =	vmax.f32 v0, $1.000000020e-16;
	v58 =	vmax.f32 v7, $1.000000020e-16  }
0x133: {  	v63 =	vmpcnt.ones.xlane vm1;
	v24 =	vmul.f32 v58, v57  }
0x134: {  	v29 =	vld [tilespmem:$0x1FFB0];
	v60 =	vmax.f32 v54, $1.000000000e+00;
	v5 =	vmul.f32 v62, v5;
	v8 =	vsub.f32 v55, v52  }
0x135: {  	v36 =	vcvt.s32.f32 v63;
	v62 =	vshra.s32 v24, $0x1;
	v24 =	vmul.f32 $5.000000000e-01, v24  }
0x136: {  	v32 =	vbroadcast v32, $0xF;
	(erf) = vrcp.f32 v60;
	v28 =	vsub.s32 $0x5F3759DF, v62  }
0x137: {  	v8 =	vmul.f32 v8, v8;
	v39 =	vmax.f32 v36, $1.000000000e+00;
	v34 =	vmul.f32 v28, v24  }
0x138: {  	v6 =	vmul.f32 v13, v6;
	v38 =	vpop (erf);
	(erf) = vrcp.f32 v39  }
0x139: {  	vm1 =	vne.s32 v2, $0x0;
	v8 =	vmul.f32 v29, v8;
	v29 =	vmul.f32 v28, v34  }
0x13a: {  	v59 =	vbroadcast v40, $0xF;
	v40 =	vmpcnt.ones.xlane vm1  }
0x13b: {  	v61 =	vsub.f32 v56, v51;
	vm1 =	vne.s32 v20, $0x0;
	v2 =	vsub.f32 $1.500000000e+00, v29  }
0x13c: {  	v11 =	vsel vm8, v11, v14;
	v44 =	vmpcnt.ones.xlane vm1;
	v13 =	vcvt.s32.f32 v40  }
0x13d: {  	v11 =	vsel vm9, v11, v21;
	v35 =	vmul.f32 v61, v61;
	v2 =	vmul.f32 v28, v2  }
0x13e: {  	v18 =	vcvt.s32.f32 v44;
	v42 =	vsub.f32 v46, v22;
	v46 =	vmax.f32 v13, $1.000000000e+00  }
0x13f: {  	v25 =	vsel vm8, v25, v59;
	(xrf2) =	vadd.scan.msk.f32 $0xffff, v6;
	v43 =	vpop (erf);
	(erf) = vrcp.f32 v46;
	v6 =	vmul.f32 v2, v24  }
0x140: {  	v5 =	vadd.f32 v5, v15;
	v12 =	vmul.f32 v12, v35;
	v51 =	vmax.f32 v18, $1.000000000e+00  }
0x141: {  	v11 =	vsel vm10, v11, v19;
	v53 =	vpop (erf);
	(erf) = vrcp.f32 v51;
	v6 =	vmul.f32 v6, v2  }
0x142: {  	v52 =	vsub.f32 v47, v49;
	v14 =	vmul.f32 v42, v42;
	v8 =	vmul.f32 v38, v8  }
0x143: {  	[tilespmem:v4+s13+$0x0] =	vst.idx.msk $0xffff, v1;
	v37 =	vsel vm9, v25, v32;
	v41 =	vbroadcast v27, $0xF;
	v6 =	vsub.f32 $1.500000000e+00, v6  }
0x144: {  	v14 =	vmul.f32 v17, v14;
	v12 =	vmul.f32 v43, v12;
	v5 =	vadd.f32 v8, v5  }
0x145: {  	v2 =	vmul.f32 v6, v2;
	v6 =	vsel vm11, v11, v54;
	v54 =	vmul.f32 v52, v52  }
0x146: {  	[tilespmem:v4+s14+$0x0] =	vst.idx.msk $0xffff, v1;
	v50 =	vbroadcast v26, $0xF;
	v4 =	vbroadcast v31, $0xF;
	v8 =	vsel vm10, v37, v41  }
0x147: {  	s31 =	sand.u32 $0x1F0, s18;
	v5 =	vadd.f32 v12, v5;
	v14 =	vmul.f32 v53, v14;
	v58 =	vmul.f32 v45, v54  }
0x148: {  	v3 =	vmul.f32 v9, v3;
	v56 =	vld [tilespmem:s31+$0x6000];
	v8 =	vsel vm11, v8, v50;
	v61 =	vpop (erf);
	v57 =	vmul.f32 v2, v24  }
0x149: {  	v4 =	vsel vm12, v8, v4;
	v5 =	vadd.f32 v14, v5;
	v8 =	vmul.f32 v61, v58  }
0x14a: {  	v6 =	vsel vm12, v6, v36;
	v63 =	vpop (erf);
	v60 =	vmul.f32 v57, v2  }
0x14b: {  	v6 =	vsel vm13, v6, v13;
	v3 =	vmul.f32 v63, v3;
	v5 =	vadd.f32 v8, v5  }
0x14c: {  	v55 =	vbroadcast v16, $0xF;
	v6 =	vsel vm14, v6, v18;
	v11 =	vsub.f32 $1.500000000e+00, v60  }
0x14d: {  	v6 =	vsub.f32 v56, v6;
	v56 =	vadd.f32 v3, v5;
	v3 =	vld [tilespmem:$0x1FFD0]  }
0x14e: {  	v59, _, _ =	vpop (xrf2);
	v4 =	vsel vm13, v4, v55;
	v2 =	vmul.f32 v11, v2  }
0x14f: {  	v4 =	vsel vm14, v4, v59  }
0x150: {  	v2 =	vmul.f32 v2, v4  }
0x151: {  	v62 =	vadd.f32 v4, v4  }
0x152: {  	v3 =	vadd.f32 v2, v3;
	v2 =	vld [tilespmem:$0x1FFE0]  }
0x153: {  	v0 =	vsub.f32 v0, v62;
	_ =	sdelay $0x1  }
0x154: {  	p0 =	sne.s32 s19, $0x7C00;
	v0 =	vadd.f32 v0, v7;
	v4 =	vld [tilespmem:$0x1FFC0]  }
.Ltmp0:
0x155: {  	_ = 	snop;
	(pc) =	sbr.rel @p0 .LBB2_2-.Ltmp0, $4  }
0x156: {  	v2 =	vadd.f32 v0, v2  }
0x157: {  	v6 =	vmul.f32 v6, v6  }
0x158: {  	[tilespmem:$0x1FFE0] =	vst v2  }
0x159: {  	s18 =	sadd.s32 $0x10, s18;
	s19 =	sadd.s32 $0x400, s19;
	v4 =	vadd.f32 v6, v4;
	v0 =	vld [tilespmem:$0x1FFE0]  }
0x15a: {  	_ = 	snop  }
0x15b: {  	(xrf2) =	vadd.scan.msk.f32 $0xffff, v56  }
0x15c: {  	(xrf2) =	vadd.scan.msk.f32 $0xffff, v4  }
0x15d: {  	(xrf2) =	vadd.scan.msk.f32 $0xffff, v3  }
0x15e: {  	(xrf2) =	vadd.scan.msk.f32 $0xffff, v0;
	_ =	sdelay $0x6  }
0x15f: {  	v0, _, _ =	vpop (xrf2)  }
0x160: {  	v2, _, _ =	vpop (xrf2);
	v0 =	vbroadcast v0, $0xF  }
0x161: {  	v3, _, _ =	vpop (xrf2);
	v2 =	vbroadcast v2, $0xF  }
0x162: {  	vm1 =	vcmask $0x310;
	v0 =	vnsel vm0, $0x0, v0;
	v3 =	vbroadcast v3, $0xF;
	v63, _, _ =	vpop (xrf2)  }
0x163: {  	v0 =	vsel vm1, v0, v2;
	vm1 =	vcmask $0x710;
	v2 =	vbroadcast v63, $0xF  }
0x164: {  	s17 =	sadd.s32 $0x1, s17;
	v0 =	vsel vm1, v0, v3;
	vm1 =	vcmask $0xB10  }
0x165: {  	p0 =	sne.s32 s17, s8;
	v0 =	vsel vm1, v0, v2  }
.Ltmp1:
0x166: {  	[tilespmem:$0x6300] =	vst v0;
	(pc) =	sbr.rel @p0 .LBB2_1-.Ltmp1, $4  }
0x167: {  	[hbm4b:s7+s2] =	stream.linear.scatter [tilespmem:s15], [sflag:$0x2], $0x80, $0x38;
	[tilespmem:$0x6380] =	vst v63  }
0x168: {  	_ =	swait.ge [sflag:s16], $0x80  }
0x169: {  	[sflag:s16] =	ssyncset.done $0x0  }
0x16a: {  	[sflag:s16] =	ssyncadd.s32 $0xFFFFFF80  }
0x16b: {  	_ =	sfence.sel $0x180000  }
0x16c: {  	[bflag:$0x0] =	sbarrier.arrive $0xFFFF  }
0x16d: {  	p0 =	sne.s32 s1, $0x0;
	_ =	strace $0x90000047  }
0x16e: {  	s0 =	sadd.s32 @!p0 $0x100000, s0;
	[bflag:$0x2] =	sbarrier.arrive $0xFFFF  }
0x16f: {  	[sflag:s0] =	ssyncadd.tile.s32 @!p0 $0x1;
	_ =	shalt  }
.Lfunc_end2:
_tile_overlayer_lowered:
.L_overlay_start_2:
0x170: {  	(tag) =	ssettag $0x2  }
0x171: {  	s0 =	rddreg [dreg:$0x0];
	s2 =	stileid.u32  }
0x172: {  	s1 =	rddreg [dreg:$0x1];
	p0 =	sne.s32 s2, $0x0  }
0x173: {  	s3 =	rddreg [dreg:$0x2];
	[bflag:$0x3] =	sbarrier.arrive $0xFFFF;
	s2 =	simm.s32 @!p0 $0x1C02  }
0x174: {  	[timem:s3], [sflag:s2] =	dma.local @!p0 [hbm:s0], s1  }
0x175: {  	s0 =	simm.s32 @!p0 $0x2  }
0x176: {  	_ =	swait.ge @!p0 [sflag:s0], s1  }
0x177: {  	s1 =	ssub.s32 @!p0 $0x0, s1;
	[sflag:s0] =	ssyncset.done @!p0 $0x0  }
0x178: {  	[sflag:s0] =	ssyncadd.s32 @!p0 s1  }
0x179: {  	[bflag:$0x3] =	sbarrier.arrive $0xFFFF  }
0x17a: {  	_ =	shalt  }

</sc_bundles>
